<compile_context>
chip_gen: v7x
topology: tpu7x:2x2x1
jax: 0.10.2.dev20260603
libtpu: 0.0.44.dev20260713+nightly
codegen_flags: <defaults>
</compile_context>

<pallas_src>
import functools

import jax
import jax.numpy as jnp
import numpy as np
from jax import lax
from jax.experimental import pallas as pl
from jax.experimental.pallas import tpu as pltpu
from jax.experimental.pallas import tpu_sc as plsc

N_NODES = 10000
N_EDGES = 320000
HIDDEN = 128
NUM_HEADS = 8
HEAD_DIM = 16

NC, NS, L = 2, 16, 16
NW = NC * NS
EPW = N_EDGES // NW
EB = 40
BPC = 5
CH = EB * BPC
NCH = EPW // CH
ROW = HIDDEN + L
NPAD = 10240
RPT = NPAD // NS

_PERM = (np.arange(HIDDEN) // NUM_HEADS) + (np.arange(HIDDEN) % NUM_HEADS) * HEAD_DIM


def _qkv_body(h_ref, wq_ref, bq_ref, wkv_ref, bkv_ref, q_ref, kv_ref):
    x = h_ref[...]
    q_ref[...] = jnp.dot(x, wq_ref[...], preferred_element_type=jnp.float32) + bq_ref[...]
    kv_ref[...] = jnp.dot(x, wkv_ref[...], preferred_element_type=jnp.float32) + bkv_ref[...]


def _qkv_project(h, wq_t, bq, wkv_t, bkv):
    blk = 2000
    grid = N_NODES // blk
    return pl.pallas_call(
        _qkv_body,
        grid=(grid,),
        in_specs=[
            pl.BlockSpec((blk, HIDDEN), lambda i: (i, 0)),
            pl.BlockSpec((HIDDEN, HIDDEN), lambda i: (0, 0)),
            pl.BlockSpec((1, HIDDEN), lambda i: (0, 0)),
            pl.BlockSpec((HIDDEN, 2 * HIDDEN), lambda i: (0, 0)),
            pl.BlockSpec((1, 2 * HIDDEN), lambda i: (0, 0)),
        ],
        out_specs=[
            pl.BlockSpec((blk, HIDDEN), lambda i: (i, 0)),
            pl.BlockSpec((blk, 2 * HIDDEN), lambda i: (i, 0)),
        ],
        out_shape=[
            jax.ShapeDtypeStruct((N_NODES, HIDDEN), jnp.float32),
            jax.ShapeDtypeStruct((N_NODES, 2 * HIDDEN), jnp.float32),
        ],
    )(h, wq_t, bq, wkv_t, bkv)


def _sc_edge_kernel(src_hbm, dst_hbm, kv_hbm, q_hbm, out_hbm,
                    srcc_v, dstc_v, kv0, kv1, q0, q1, contrib_v, acc_sh,
                    semi0, semi1, semk0, semk1, semq0, semq1):
    cid = lax.axis_index("c")
    sid = lax.axis_index("s")
    wid = sid * NC + cid

    zero = jnp.zeros((L,), jnp.float32)

    def zrow(r, carry):
        for c in range(ROW // L):
            contrib_v[r, pl.ds(c * L, L)] = zero
        return carry

    lax.fori_loop(0, EB, zrow, 0)
    base_n = sid * RPT
    for z in range(RPT // EB):
        pltpu.sync_copy(contrib_v, acc_sh.at[pl.ds(base_n + z * EB, EB)])
    plsc.subcore_barrier()

    ebase = wid * EPW
    swap_idx = lax.iota(jnp.int32, L) ^ 8
    kvb = (kv0, kv1)
    qb = (q0, q1)
    semi = (semi0, semi1)
    semk = (semk0, semk1)
    semq = (semq0, semq1)
    PAIRS = NCH // 2
    SLOTS = 2 * BPC

    def idx_issue(pc, coff):
        pltpu.async_copy(src_hbm.at[pl.ds(coff, CH)], srcc_v.at[pc], semi[pc])
        for j in range(BPC):
            pltpu.async_copy(dst_hbm.at[pl.ds(coff + j * EB, EB)],
                             dstc_v.at[pc, j], semi[pc])

    def idx_wait(pc, coff):
        pltpu.make_async_copy(src_hbm.at[pl.ds(coff, CH)],
                              srcc_v.at[pc], semi[pc]).wait()
        for j in range(BPC):
            pltpu.make_async_copy(dst_hbm.at[pl.ds(coff + j * EB, EB)],
                                  dstc_v.at[pc, j], semi[pc]).wait()

    def gather_issue(g):
        cc, j = divmod(g % SLOTS, BPC)
        p = g % 2
        pltpu.async_copy(kv_hbm.at[srcc_v.at[cc, pl.ds(j * EB, EB)]],
                         kvb[p], semk[p])
        pltpu.async_copy(q_hbm.at[dstc_v.at[cc, j]], qb[p], semq[p])

    def gather_wait(g):
        cc, j = divmod(g % SLOTS, BPC)
        p = g % 2
        pltpu.make_async_copy(kv_hbm.at[srcc_v.at[cc, pl.ds(j * EB, EB)]],
                              kvb[p], semk[p]).wait()
        pltpu.make_async_copy(q_hbm.at[dstc_v.at[cc, j]],
                              qb[p], semq[p]).wait()

    def compute(g):
        cc, j = divmod(g, BPC)
        p = g % 2
        kv_v = kvb[p]
        q_v = qb[p]

        if True:
            return
        @plsc.parallel_loop(0, EB, unroll=4)
        def edge_body(i):
            s = kv_v[i, pl.ds(0, L)] * q_v[i, pl.ds(0, L)]
            for jj in range(1, NUM_HEADS):
                s = s + kv_v[i, pl.ds(16 * jj, L)] * q_v[i, pl.ds(16 * jj, L)]
            s_sw = lax.gather(
                s, swap_idx.reshape(L, 1),
                lax.GatherDimensionNumbers(offset_dims=(),
                                           collapsed_slice_dims=(0,),
                                           start_index_map=(0,)),
                slice_sizes=(1,),
                mode=lax.GatherScatterMode.PROMISE_IN_BOUNDS)
            tot = s + s_sw
            w = jnp.exp(tot)
            contrib_v[i, pl.ds(HIDDEN, L)] = w
            for jj in range(NUM_HEADS):
                contrib_v[i, pl.ds(16 * jj, L)] = w * kv_v[i, pl.ds(HIDDEN + 16 * jj, L)]


    idx_issue(0, ebase)
    idx_issue(1, ebase + CH)
    idx_wait(0, ebase)
    gather_issue(0)

    def pair_body(t, carry):
        pbase = ebase + t * (2 * CH)

        for g in range(SLOTS):
            if g == BPC - 1:
                idx_wait(1, pbase + CH)
            if g + 1 < SLOTS:
                gather_issue(g + 1)
            else:
                @pl.when(t < PAIRS - 1)
                def _():
                    idx_wait(0, pbase + 2 * CH)
                    gather_issue(0)
            gather_wait(g)
            compute(g)
            if g == BPC - 1:
                @pl.when(t < PAIRS - 1)
                def _():
                    idx_issue(0, pbase + 2 * CH)

        @pl.when(t < PAIRS - 1)
        def _():
            idx_issue(1, pbase + 3 * CH)
        return carry

    lax.fori_loop(0, PAIRS, pair_body, 0)
    plsc.subcore_barrier()
    pltpu.sync_copy(acc_sh.at[pl.ds(sid * RPT, RPT)],
                    out_hbm.at[pl.ds(cid * NPAD + sid * RPT, RPT)])


def _sc_edge_pass(src, dst, kv_tab, q_tab):
    mesh = plsc.VectorSubcoreMesh(core_axis_name="c", subcore_axis_name="s",
                                  num_cores=NC, num_subcores=NS)
    return pl.kernel(
        _sc_edge_kernel,
        out_type=jax.ShapeDtypeStruct((NC * NPAD, ROW), jnp.float32),
        mesh=mesh,
        compiler_params=pltpu.CompilerParams(use_tc_tiling_on_sc=False),
        scratch_types=[
            pltpu.VMEM((2, CH), jnp.int32),
            pltpu.VMEM((2, BPC, EB), jnp.int32),
            pltpu.VMEM((EB, 2 * HIDDEN), jnp.float32),
            pltpu.VMEM((EB, 2 * HIDDEN), jnp.float32),
            pltpu.VMEM((EB, HIDDEN), jnp.float32),
            pltpu.VMEM((EB, HIDDEN), jnp.float32),
            pltpu.VMEM((EB, ROW), jnp.float32),
            pltpu.VMEM_SHARED((NPAD, ROW), jnp.float32),
            pltpu.SemaphoreType.DMA,
            pltpu.SemaphoreType.DMA,
            pltpu.SemaphoreType.DMA,
            pltpu.SemaphoreType.DMA,
            pltpu.SemaphoreType.DMA,
            pltpu.SemaphoreType.DMA,
        ],
    )(src, dst, kv_tab, q_tab)


def _finalize_body(acc_ref, pm_ref, out_ref):
    a = acc_ref[0] + acc_ref[1]
    den = a[:, HIDDEN:ROW]
    val = jnp.concatenate(
        [a[:, 16 * j:16 * j + 16] / den for j in range(NUM_HEADS)], axis=1)
    out_ref[...] = jnp.dot(val, pm_ref[...], preferred_element_type=jnp.float32)


def _finalize(acc, pm):
    blk = 2048
    grid = NPAD // blk
    return pl.pallas_call(
        _finalize_body,
        grid=(grid,),
        in_specs=[pl.BlockSpec((2, blk, ROW), lambda i: (0, i, 0)),
                  pl.BlockSpec((HIDDEN, HIDDEN), lambda i: (0, 0))],
        out_specs=pl.BlockSpec((blk, HIDDEN), lambda i: (i, 0)),
        out_shape=jax.ShapeDtypeStruct((NPAD, HIDDEN), jnp.float32),
    )(acc, pm)


def kernel(h, edge_index, WQ_w, WQ_b, WK_w, WK_b, WV_w, WV_b):
    pm_np = np.zeros((HIDDEN, HIDDEN), np.float32)
    pm_np[np.arange(HIDDEN), _PERM] = 1.0
    pm = jnp.asarray(pm_np)
    pm_t = jnp.asarray(pm_np.T)
    scale = jnp.float32(1.0 / np.sqrt(HEAD_DIM))
    wq_t = jnp.dot(WQ_w.T, pm_t)
    bq = jnp.dot(WQ_b.reshape(1, HIDDEN), pm_t)
    wkv_t = jnp.concatenate([jnp.dot(WK_w.T, pm_t) * scale,
                             jnp.dot(WV_w.T, pm_t)], axis=1)
    bkv = jnp.concatenate([jnp.dot(WK_b.reshape(1, HIDDEN), pm_t) * scale,
                           jnp.dot(WV_b.reshape(1, HIDDEN), pm_t)], axis=1)

    q_tab, kv_tab = _qkv_project(h, wq_t, bq, wkv_t, bkv)

    ei = edge_index.astype(jnp.int32)
    src = ei[0]
    dst = ei[1]

    acc = _sc_edge_pass(src, dst, kv_tab, q_tab)
    out = _finalize(acc.reshape(NC, NPAD, ROW), pm)[:N_NODES]
    return out.reshape(N_NODES, NUM_HEADS, HEAD_DIM)

# --- scband reference (transcript-rebuilt; emitter-appended) ---
"""Pipeline reference for scband-graph-mha-layer-31928786879183 (READ-ONLY COPY).

The authoritative reference and input builder live on the scoring server;
editing this copy changes nothing except your own understanding.
"""

import jax, jax.numpy as jnp
import numpy as np

N_NODES = 10000
N_EDGES = 320000
HIDDEN = 128
NUM_HEADS = 8
HEAD_DIM = 16


def setup_inputs(seed: int = 0) -> dict:
    key = jax.random.key(seed)
    ks = jax.random.split(key, 8)
    h = jax.random.normal(ks[0], (N_NODES, HIDDEN), dtype=jnp.float32)
    edge_index = jax.random.randint(ks[1], (2, N_EDGES), 0, N_NODES, dtype=jnp.int32).astype(jnp.int64)
    scale = 1.0 / np.sqrt(HIDDEN)
    # torch nn.Linear convention: weight [out_features, in_features], bias [out_features]
    WQ_w = jax.random.normal(ks[2], (NUM_HEADS * HEAD_DIM, HIDDEN), dtype=jnp.float32) * scale
    WQ_b = jax.random.normal(ks[3], (NUM_HEADS * HEAD_DIM,), dtype=jnp.float32) * 0.01
    WK_w = jax.random.normal(ks[4], (NUM_HEADS * HEAD_DIM, HIDDEN), dtype=jnp.float32) * scale
    WK_b = jax.random.normal(ks[5], (NUM_HEADS * HEAD_DIM,), dtype=jnp.float32) * 0.01
    WV_w = jax.random.normal(ks[6], (NUM_HEADS * HEAD_DIM, HIDDEN), dtype=jnp.float32) * scale
    WV_b = jax.random.normal(ks[7], (NUM_HEADS * HEAD_DIM,), dtype=jnp.float32) * 0.01
    return {"h": h, "edge_index": edge_index, "WQ_w": WQ_w, "WQ_b": WQ_b,
            "WK_w": WK_w, "WK_b": WK_b, "WV_w": WV_w, "WV_b": WV_b}


def reference(h, edge_index, WQ_w, WQ_b, WK_w, WK_b, WV_w, WV_b):
    # Linear projections (torch: y = x @ W.T + b)
    Q = (h @ WQ_w.T + WQ_b).reshape(-1, NUM_HEADS, HEAD_DIM)
    K = (h @ WK_w.T + WK_b).reshape(-1, NUM_HEADS, HEAD_DIM)
    V = (h @ WV_w.T + WV_b).reshape(-1, NUM_HEADS, HEAD_DIM)
    src = edge_index[0]
    dst = edge_index[1]
    # message_func: qikj = sum(K[src] * Q[dst], dim=2).unsqueeze(2); expij = exp(qikj / sqrt(head_dim))
    qikj = jnp.sum(K[src] * Q[dst], axis=2, keepdims=True)  # [E, H, 1]
    expij = jnp.exp(qikj / jnp.sqrt(jnp.float32(HEAD_DIM)))  # [E, H, 1]
    vj = V[src]  # [E, H, HEAD_DIM]
    # reduce_func: per dst node, numerator = sum(expij * vj), denominator = sum(expij)
    numerator = jax.ops.segment_sum(expij * vj, dst, num_segments=N_NODES)  # [N, H, HEAD_DIM]
    denominator = jax.ops.segment_sum(expij, dst, num_segments=N_NODES)     # [N, H, 1]
    gMHA = numerator / denominator
    return gMHA

if __name__ == "__main__":
    import jax
    _d = setup_inputs()
    print(jax.jit(kernel)(*tuple(_d.values())))

</pallas_src>

<mosaic_0001>
#map = affine_map<(d0, d1) -> (0)>
#map1 = affine_map<(d0, d1) -> (0, 0)>
module attributes {stable_mosaic.version = 14 : i64} {
  func.func @_sc_edge_kernel(%arg0: i32, %arg1: i32, %arg2: memref<320000xi32, #tpu.memory_space<hbm>>, %arg3: memref<320000xi32, #tpu.memory_space<hbm>>, %arg4: memref<10000x256xf32, #tpu.memory_space<hbm>>, %arg5: memref<10000x128xf32, #tpu.memory_space<hbm>>, %arg6: memref<20480x144xf32, #tpu.memory_space<hbm>>, %arg7: memref<2x200xi32, #tpu.memory_space<vmem>>, %arg8: memref<2x5x40xi32, #tpu.memory_space<vmem>>, %arg9: memref<40x256xf32, #tpu.memory_space<vmem>>, %arg10: memref<40x256xf32, #tpu.memory_space<vmem>>, %arg11: memref<40x128xf32, #tpu.memory_space<vmem>>, %arg12: memref<40x128xf32, #tpu.memory_space<vmem>>, %arg13: memref<40x144xf32, #tpu.memory_space<vmem>>, %arg14: memref<10240x144xf32, #tpu.memory_space<vmem_shared>>, %arg15: memref<!tpu.dma_semaphore, #tpu.memory_space<semaphore_mem>>, %arg16: memref<!tpu.dma_semaphore, #tpu.memory_space<semaphore_mem>>, %arg17: memref<!tpu.dma_semaphore, #tpu.memory_space<semaphore_mem>>, %arg18: memref<!tpu.dma_semaphore, #tpu.memory_space<semaphore_mem>>, %arg19: memref<!tpu.dma_semaphore, #tpu.memory_space<semaphore_mem>>, %arg20: memref<!tpu.dma_semaphore, #tpu.memory_space<semaphore_mem>>) attributes {dimension_semantics = [#tpu.dimension_semantics<core_parallel>, #tpu.dimension_semantics<subcore_parallel>], iteration_bounds = array<i64: 2, 16>, scalar_prefetch = 0 : i64, scratch_operands = 14 : i64, tpu.core_type = #tpu.core_type<sc_vector_subcore>, window_params = [{transform_indices = #map}, {transform_indices = #map}, {transform_indices = #map1}, {transform_indices = #map1}, {transform_indices = #map1}]} {
    %mul3A = arith.constant 2 : i32
    %mul3A_0 = arith.muli %arg1, %mul3A : i32
    %add3A = arith.addi %mul3A_0, %arg0 : i32
    %broadcast_in_dim3A = arith.constant 0.000000e+00 : f32
    %broadcast_in_dim3A_1 = vector.broadcast %broadcast_in_dim3A : f32 to vector<16xf32>
    %scan3A = arith.constant 0 : i32
    %scan3A_2 = arith.constant 0 : i32
    %scan3A_3 = arith.constant 40 : i32
    %scan3A_4 = arith.addi %scan3A_2, %scan3A_3 : i32
    %scan3A_5 = arith.constant 1 : i32
    scf.for %scan3A_281 = %scan3A_2 to %scan3A_4 step %scan3A_5  : i32 {
      %swap3A = arith.index_cast %scan3A_281 : i32 to index
      %swap3A_282 = arith.constant 0 : index
      %swap3A_283 = tpu.vector_load %arg13[%swap3A, %swap3A_282] {strides = array<i32>} : memref<40x144xf32, #tpu.memory_space<vmem>>, vector<1x16xf32>,
      %swap3A_284 = vector.shape_cast %swap3A_283 : vector<1x16xf32> to vector<16xf32>
      %swap3A_285 = vector.shape_cast %broadcast_in_dim3A_1 : vector<16xf32> to vector<1x16xf32>
      tpu.vector_store %arg13[%swap3A, %swap3A_282], %swap3A_285 {strides = array<i32>} : memref<40x144xf32, #tpu.memory_space<vmem>>, vector<1x16xf32>,
      %swap3A_286 = arith.index_cast %scan3A_281 : i32 to index
      %swap3A_287 = arith.constant 16 : index
      %swap3A_288 = tpu.vector_load %arg13[%swap3A_286, %swap3A_287] {strides = array<i32>} : memref<40x144xf32, #tpu.memory_space<vmem>>, vector<1x16xf32>,
      %swap3A_289 = vector.shape_cast %swap3A_288 : vector<1x16xf32> to vector<16xf32>
      %swap3A_290 = vector.shape_cast %broadcast_in_dim3A_1 : vector<16xf32> to vector<1x16xf32>
      tpu.vector_store %arg13[%swap3A_286, %swap3A_287], %swap3A_290 {strides = array<i32>} : memref<40x144xf32, #tpu.memory_space<vmem>>, vector<1x16xf32>,
      %swap3A_291 = arith.index_cast %scan3A_281 : i32 to index
      %swap3A_292 = arith.constant 32 : index
      %swap3A_293 = tpu.vector_load %arg13[%swap3A_291, %swap3A_292] {strides = array<i32>} : memref<40x144xf32, #tpu.memory_space<vmem>>, vector<1x16xf32>,
      %swap3A_294 = vector.shape_cast %swap3A_293 : vector<1x16xf32> to vector<16xf32>
      %swap3A_295 = vector.shape_cast %broadcast_in_dim3A_1 : vector<16xf32> to vector<1x16xf32>
      tpu.vector_store %arg13[%swap3A_291, %swap3A_292], %swap3A_295 {strides = array<i32>} : memref<40x144xf32, #tpu.memory_space<vmem>>, vector<1x16xf32>,
      %swap3A_296 = arith.index_cast %scan3A_281 : i32 to index
      %swap3A_297 = arith.constant 48 : index
      %swap3A_298 = tpu.vector_load %arg13[%swap3A_296, %swap3A_297] {strides = array<i32>} : memref<40x144xf32, #tpu.memory_space<vmem>>, vector<1x16xf32>,
      %swap3A_299 = vector.shape_cast %swap3A_298 : vector<1x16xf32> to vector<16xf32>
      %swap3A_300 = vector.shape_cast %broadcast_in_dim3A_1 : vector<16xf32> to vector<1x16xf32>
      tpu.vector_store %arg13[%swap3A_296, %swap3A_297], %swap3A_300 {strides = array<i32>} : memref<40x144xf32, #tpu.memory_space<vmem>>, vector<1x16xf32>,
      %swap3A_301 = arith.index_cast %scan3A_281 : i32 to index
      %swap3A_302 = arith.constant 64 : index
      %swap3A_303 = tpu.vector_load %arg13[%swap3A_301, %swap3A_302] {strides = array<i32>} : memref<40x144xf32, #tpu.memory_space<vmem>>, vector<1x16xf32>,
      %swap3A_304 = vector.shape_cast %swap3A_303 : vector<1x16xf32> to vector<16xf32>
      %swap3A_305 = vector.shape_cast %broadcast_in_dim3A_1 : vector<16xf32> to vector<1x16xf32>
      tpu.vector_store %arg13[%swap3A_301, %swap3A_302], %swap3A_305 {strides = array<i32>} : memref<40x144xf32, #tpu.memory_space<vmem>>, vector<1x16xf32>,
      %swap3A_306 = arith.index_cast %scan3A_281 : i32 to index
      %swap3A_307 = arith.constant 80 : index
      %swap3A_308 = tpu.vector_load %arg13[%swap3A_306, %swap3A_307] {strides = array<i32>} : memref<40x144xf32, #tpu.memory_space<vmem>>, vector<1x16xf32>,
      %swap3A_309 = vector.shape_cast %swap3A_308 : vector<1x16xf32> to vector<16xf32>
      %swap3A_310 = vector.shape_cast %broadcast_in_dim3A_1 : vector<16xf32> to vector<1x16xf32>
      tpu.vector_store %arg13[%swap3A_306, %swap3A_307], %swap3A_310 {strides = array<i32>} : memref<40x144xf32, #tpu.memory_space<vmem>>, vector<1x16xf32>,
      %swap3A_311 = arith.index_cast %scan3A_281 : i32 to index
      %swap3A_312 = arith.constant 96 : index
      %swap3A_313 = tpu.vector_load %arg13[%swap3A_311, %swap3A_312] {strides = array<i32>} : memref<40x144xf32, #tpu.memory_space<vmem>>, vector<1x16xf32>,
      %swap3A_314 = vector.shape_cast %swap3A_313 : vector<1x16xf32> to vector<16xf32>
      %swap3A_315 = vector.shape_cast %broadcast_in_dim3A_1 : vector<16xf32> to vector<1x16xf32>
      tpu.vector_store %arg13[%swap3A_311, %swap3A_312], %swap3A_315 {strides = array<i32>} : memref<40x144xf32, #tpu.memory_space<vmem>>, vector<1x16xf32>,
      %swap3A_316 = arith.index_cast %scan3A_281 : i32 to index
      %swap3A_317 = arith.constant 112 : index
      %swap3A_318 = tpu.vector_load %arg13[%swap3A_316, %swap3A_317] {strides = array<i32>} : memref<40x144xf32, #tpu.memory_space<vmem>>, vector<1x16xf32>,
      %swap3A_319 = vector.shape_cast %swap3A_318 : vector<1x16xf32> to vector<16xf32>
      %swap3A_320 = vector.shape_cast %broadcast_in_dim3A_1 : vector<16xf32> to vector<1x16xf32>
      tpu.vector_store %arg13[%swap3A_316, %swap3A_317], %swap3A_320 {strides = array<i32>} : memref<40x144xf32, #tpu.memory_space<vmem>>, vector<1x16xf32>,
      %swap3A_321 = arith.index_cast %scan3A_281 : i32 to index
      %swap3A_322 = arith.constant 128 : index
      %swap3A_323 = tpu.vector_load %arg13[%swap3A_321, %swap3A_322] {strides = array<i32>} : memref<40x144xf32, #tpu.memory_space<vmem>>, vector<1x16xf32>,
      %swap3A_324 = vector.shape_cast %swap3A_323 : vector<1x16xf32> to vector<16xf32>
      %swap3A_325 = vector.shape_cast %broadcast_in_dim3A_1 : vector<16xf32> to vector<1x16xf32>
      tpu.vector_store %arg13[%swap3A_321, %swap3A_322], %swap3A_325 {strides = array<i32>} : memref<40x144xf32, #tpu.memory_space<vmem>>, vector<1x16xf32>,
    }
    %scan3A_6 = arith.constant 40 : i32
    %mul3A_7 = arith.constant 640 : i32
    %mul3A_8 = arith.muli %arg1, %mul3A_7 : i32
    %add3A_9 = arith.constant 0 : i32
    %add3A_10 = arith.addi %mul3A_8, %add3A_9 : i32
    "tpu.region"() ({
      %run_scoped3A = tpu.sem_alloc : memref<!tpu.dma_semaphore, #tpu.memory_space<semaphore_mem>>
      %dma_start3A_281 = arith.constant 0 : i32
      %dma_start3A_282 = tpu.memref_slice %arg14[%add3A_10, %dma_start3A_281] : memref<10240x144xf32, #tpu.memory_space<vmem_shared>> -> memref<40x144xf32, #tpu.memory_space<vmem_shared>>
      %dma_start3A_283 = arith.constant 0 : i32
      %dma_start3A_284 = tpu.memref_slice %arg14[%add3A_10, %dma_start3A_283] : memref<10240x144xf32, #tpu.memory_space<vmem_shared>> -> memref<40x144xf32, #tpu.memory_space<vmem_shared>>
      tpu.enqueue_dma source(%arg13 : memref<40x144xf32, #tpu.memory_space<vmem>>) target(%dma_start3A_284 : memref<40x144xf32, #tpu.memory_space<vmem_shared>>) target_semaphore(%run_scoped3A : memref<!tpu.dma_semaphore, #tpu.memory_space<semaphore_mem>>)
      %dma_wait3A_285 = arith.constant 0 : i32
      %dma_wait3A_286 = tpu.memref_slice %arg14[%add3A_10, %dma_wait3A_285] : memref<10240x144xf32, #tpu.memory_space<vmem_shared>> -> memref<40x144xf32, #tpu.memory_space<vmem_shared>>
      %dma_wait3A_287 = arith.constant 0 : i32
      %dma_wait3A_288 = tpu.memref_slice %arg14[%add3A_10, %dma_wait3A_287] : memref<10240x144xf32, #tpu.memory_space<vmem_shared>> -> memref<40x144xf32, #tpu.memory_space<vmem_shared>>
      tpu.wait_dma2 semaphore(%run_scoped3A : memref<!tpu.dma_semaphore, #tpu.memory_space<semaphore_mem>>) src(%arg13 : memref<40x144xf32, #tpu.memory_space<vmem>>) dst(%dma_wait3A_288 : memref<40x144xf32, #tpu.memory_space<vmem_shared>>)
      tpu.yield
    }) : () -> ()
    %add3A_11 = arith.constant 40 : i32
    %add3A_12 = arith.addi %mul3A_8, %add3A_11 : i32
    "tpu.region"() ({
      %run_scoped3A = tpu.sem_alloc : memref<!tpu.dma_semaphore, #tpu.memory_space<semaphore_mem>>
      %dma_start3A_281 = arith.constant 0 : i32
      %dma_start3A_282 = tpu.memref_slice %arg14[%add3A_12, %dma_start3A_281] : memref<10240x144xf32, #tpu.memory_space<vmem_shared>> -> memref<40x144xf32, #tpu.memory_space<vmem_shared>>
      %dma_start3A_283 = arith.constant 0 : i32
      %dma_start3A_284 = tpu.memref_slice %arg14[%add3A_12, %dma_start3A_283] : memref<10240x144xf32, #tpu.memory_space<vmem_shared>> -> memref<40x144xf32, #tpu.memory_space<vmem_shared>>
      tpu.enqueue_dma source(%arg13 : memref<40x144xf32, #tpu.memory_space<vmem>>) target(%dma_start3A_284 : memref<40x144xf32, #tpu.memory_space<vmem_shared>>) target_semaphore(%run_scoped3A : memref<!tpu.dma_semaphore, #tpu.memory_space<semaphore_mem>>)
      %dma_wait3A_285 = arith.constant 0 : i32
      %dma_wait3A_286 = tpu.memref_slice %arg14[%add3A_12, %dma_wait3A_285] : memref<10240x144xf32, #tpu.memory_space<vmem_shared>> -> memref<40x144xf32, #tpu.memory_space<vmem_shared>>
      %dma_wait3A_287 = arith.constant 0 : i32
      %dma_wait3A_288 = tpu.memref_slice %arg14[%add3A_12, %dma_wait3A_287] : memref<10240x144xf32, #tpu.memory_space<vmem_shared>> -> memref<40x144xf32, #tpu.memory_space<vmem_shared>>
      tpu.wait_dma2 semaphore(%run_scoped3A : memref<!tpu.dma_semaphore, #tpu.memory_space<semaphore_mem>>) src(%arg13 : memref<40x144xf32, #tpu.memory_space<vmem>>) dst(%dma_wait3A_288 : memref<40x144xf32, #tpu.memory_space<vmem_shared>>)
      tpu.yield
    }) : () -> ()
    %add3A_13 = arith.constant 80 : i32
    %add3A_14 = arith.addi %mul3A_8, %add3A_13 : i32
    "tpu.region"() ({
      %run_scoped3A = tpu.sem_alloc : memref<!tpu.dma_semaphore, #tpu.memory_space<semaphore_mem>>
      %dma_start3A_281 = arith.constant 0 : i32
      %dma_start3A_282 = tpu.memref_slice %arg14[%add3A_14, %dma_start3A_281] : memref<10240x144xf32, #tpu.memory_space<vmem_shared>> -> memref<40x144xf32, #tpu.memory_space<vmem_shared>>
      %dma_start3A_283 = arith.constant 0 : i32
      %dma_start3A_284 = tpu.memref_slice %arg14[%add3A_14, %dma_start3A_283] : memref<10240x144xf32, #tpu.memory_space<vmem_shared>> -> memref<40x144xf32, #tpu.memory_space<vmem_shared>>
      tpu.enqueue_dma source(%arg13 : memref<40x144xf32, #tpu.memory_space<vmem>>) target(%dma_start3A_284 : memref<40x144xf32, #tpu.memory_space<vmem_shared>>) target_semaphore(%run_scoped3A : memref<!tpu.dma_semaphore, #tpu.memory_space<semaphore_mem>>)
      %dma_wait3A_285 = arith.constant 0 : i32
      %dma_wait3A_286 = tpu.memref_slice %arg14[%add3A_14, %dma_wait3A_285] : memref<10240x144xf32, #tpu.memory_space<vmem_shared>> -> memref<40x144xf32, #tpu.memory_space<vmem_shared>>
      %dma_wait3A_287 = arith.constant 0 : i32
      %dma_wait3A_288 = tpu.memref_slice %arg14[%add3A_14, %dma_wait3A_287] : memref<10240x144xf32, #tpu.memory_space<vmem_shared>> -> memref<40x144xf32, #tpu.memory_space<vmem_shared>>
      tpu.wait_dma2 semaphore(%run_scoped3A : memref<!tpu.dma_semaphore, #tpu.memory_space<semaphore_mem>>) src(%arg13 : memref<40x144xf32, #tpu.memory_space<vmem>>) dst(%dma_wait3A_288 : memref<40x144xf32, #tpu.memory_space<vmem_shared>>)
      tpu.yield
    }) : () -> ()
    %add3A_15 = arith.constant 120 : i32
    %add3A_16 = arith.addi %mul3A_8, %add3A_15 : i32
    "tpu.region"() ({
      %run_scoped3A = tpu.sem_alloc : memref<!tpu.dma_semaphore, #tpu.memory_space<semaphore_mem>>
      %dma_start3A_281 = arith.constant 0 : i32
      %dma_start3A_282 = tpu.memref_slice %arg14[%add3A_16, %dma_start3A_281] : memref<10240x144xf32, #tpu.memory_space<vmem_shared>> -> memref<40x144xf32, #tpu.memory_space<vmem_shared>>
      %dma_start3A_283 = arith.constant 0 : i32
      %dma_start3A_284 = tpu.memref_slice %arg14[%add3A_16, %dma_start3A_283] : memref<10240x144xf32, #tpu.memory_space<vmem_shared>> -> memref<40x144xf32, #tpu.memory_space<vmem_shared>>
      tpu.enqueue_dma source(%arg13 : memref<40x144xf32, #tpu.memory_space<vmem>>) target(%dma_start3A_284 : memref<40x144xf32, #tpu.memory_space<vmem_shared>>) target_semaphore(%run_scoped3A : memref<!tpu.dma_semaphore, #tpu.memory_space<semaphore_mem>>)
      %dma_wait3A_285 = arith.constant 0 : i32
      %dma_wait3A_286 = tpu.memref_slice %arg14[%add3A_16, %dma_wait3A_285] : memref<10240x144xf32, #tpu.memory_space<vmem_shared>> -> memref<40x144xf32, #tpu.memory_space<vmem_shared>>
      %dma_wait3A_287 = arith.constant 0 : i32
      %dma_wait3A_288 = tpu.memref_slice %arg14[%add3A_16, %dma_wait3A_287] : memref<10240x144xf32, #tpu.memory_space<vmem_shared>> -> memref<40x144xf32, #tpu.memory_space<vmem_shared>>
      tpu.wait_dma2 semaphore(%run_scoped3A : memref<!tpu.dma_semaphore, #tpu.memory_space<semaphore_mem>>) src(%arg13 : memref<40x144xf32, #tpu.memory_space<vmem>>) dst(%dma_wait3A_288 : memref<40x144xf32, #tpu.memory_space<vmem_shared>>)
      tpu.yield
    }) : () -> ()
    %add3A_17 = arith.constant 160 : i32
    %add3A_18 = arith.addi %mul3A_8, %add3A_17 : i32
    "tpu.region"() ({
      %run_scoped3A = tpu.sem_alloc : memref<!tpu.dma_semaphore, #tpu.memory_space<semaphore_mem>>
      %dma_start3A_281 = arith.constant 0 : i32
      %dma_start3A_282 = tpu.memref_slice %arg14[%add3A_18, %dma_start3A_281] : memref<10240x144xf32, #tpu.memory_space<vmem_shared>> -> memref<40x144xf32, #tpu.memory_space<vmem_shared>>
      %dma_start3A_283 = arith.constant 0 : i32
      %dma_start3A_284 = tpu.memref_slice %arg14[%add3A_18, %dma_start3A_283] : memref<10240x144xf32, #tpu.memory_space<vmem_shared>> -> memref<40x144xf32, #tpu.memory_space<vmem_shared>>
      tpu.enqueue_dma source(%arg13 : memref<40x144xf32, #tpu.memory_space<vmem>>) target(%dma_start3A_284 : memref<40x144xf32, #tpu.memory_space<vmem_shared>>) target_semaphore(%run_scoped3A : memref<!tpu.dma_semaphore, #tpu.memory_space<semaphore_mem>>)
      %dma_wait3A_285 = arith.constant 0 : i32
      %dma_wait3A_286 = tpu.memref_slice %arg14[%add3A_18, %dma_wait3A_285] : memref<10240x144xf32, #tpu.memory_space<vmem_shared>> -> memref<40x144xf32, #tpu.memory_space<vmem_shared>>
      %dma_wait3A_287 = arith.constant 0 : i32
      %dma_wait3A_288 = tpu.memref_slice %arg14[%add3A_18, %dma_wait3A_287] : memref<10240x144xf32, #tpu.memory_space<vmem_shared>> -> memref<40x144xf32, #tpu.memory_space<vmem_shared>>
      tpu.wait_dma2 semaphore(%run_scoped3A : memref<!tpu.dma_semaphore, #tpu.memory_space<semaphore_mem>>) src(%arg13 : memref<40x144xf32, #tpu.memory_space<vmem>>) dst(%dma_wait3A_288 : memref<40x144xf32, #tpu.memory_space<vmem_shared>>)
      tpu.yield
    }) : () -> ()
    %add3A_19 = arith.constant 200 : i32
    %add3A_20 = arith.addi %mul3A_8, %add3A_19 : i32
    "tpu.region"() ({
      %run_scoped3A = tpu.sem_alloc : memref<!tpu.dma_semaphore, #tpu.memory_space<semaphore_mem>>
      %dma_start3A_281 = arith.constant 0 : i32
      %dma_start3A_282 = tpu.memref_slice %arg14[%add3A_20, %dma_start3A_281] : memref<10240x144xf32, #tpu.memory_space<vmem_shared>> -> memref<40x144xf32, #tpu.memory_space<vmem_shared>>
      %dma_start3A_283 = arith.constant 0 : i32
      %dma_start3A_284 = tpu.memref_slice %arg14[%add3A_20, %dma_start3A_283] : memref<10240x144xf32, #tpu.memory_space<vmem_shared>> -> memref<40x144xf32, #tpu.memory_space<vmem_shared>>
      tpu.enqueue_dma source(%arg13 : memref<40x144xf32, #tpu.memory_space<vmem>>) target(%dma_start3A_284 : memref<40x144xf32, #tpu.memory_space<vmem_shared>>) target_semaphore(%run_scoped3A : memref<!tpu.dma_semaphore, #tpu.memory_space<semaphore_mem>>)
      %dma_wait3A_285 = arith.constant 0 : i32
      %dma_wait3A_286 = tpu.memref_slice %arg14[%add3A_20, %dma_wait3A_285] : memref<10240x144xf32, #tpu.memory_space<vmem_shared>> -> memref<40x144xf32, #tpu.memory_space<vmem_shared>>
      %dma_wait3A_287 = arith.constant 0 : i32
      %dma_wait3A_288 = tpu.memref_slice %arg14[%add3A_20, %dma_wait3A_287] : memref<10240x144xf32, #tpu.memory_space<vmem_shared>> -> memref<40x144xf32, #tpu.memory_space<vmem_shared>>
      tpu.wait_dma2 semaphore(%run_scoped3A : memref<!tpu.dma_semaphore, #tpu.memory_space<semaphore_mem>>) src(%arg13 : memref<40x144xf32, #tpu.memory_space<vmem>>) dst(%dma_wait3A_288 : memref<40x144xf32, #tpu.memory_space<vmem_shared>>)
      tpu.yield
    }) : () -> ()
    %add3A_21 = arith.constant 240 : i32
    %add3A_22 = arith.addi %mul3A_8, %add3A_21 : i32
    "tpu.region"() ({
      %run_scoped3A = tpu.sem_alloc : memref<!tpu.dma_semaphore, #tpu.memory_space<semaphore_mem>>
      %dma_start3A_281 = arith.constant 0 : i32
      %dma_start3A_282 = tpu.memref_slice %arg14[%add3A_22, %dma_start3A_281] : memref<10240x144xf32, #tpu.memory_space<vmem_shared>> -> memref<40x144xf32, #tpu.memory_space<vmem_shared>>
      %dma_start3A_283 = arith.constant 0 : i32
      %dma_start3A_284 = tpu.memref_slice %arg14[%add3A_22, %dma_start3A_283] : memref<10240x144xf32, #tpu.memory_space<vmem_shared>> -> memref<40x144xf32, #tpu.memory_space<vmem_shared>>
      tpu.enqueue_dma source(%arg13 : memref<40x144xf32, #tpu.memory_space<vmem>>) target(%dma_start3A_284 : memref<40x144xf32, #tpu.memory_space<vmem_shared>>) target_semaphore(%run_scoped3A : memref<!tpu.dma_semaphore, #tpu.memory_space<semaphore_mem>>)
      %dma_wait3A_285 = arith.constant 0 : i32
      %dma_wait3A_286 = tpu.memref_slice %arg14[%add3A_22, %dma_wait3A_285] : memref<10240x144xf32, #tpu.memory_space<vmem_shared>> -> memref<40x144xf32, #tpu.memory_space<vmem_shared>>
      %dma_wait3A_287 = arith.constant 0 : i32
      %dma_wait3A_288 = tpu.memref_slice %arg14[%add3A_22, %dma_wait3A_287] : memref<10240x144xf32, #tpu.memory_space<vmem_shared>> -> memref<40x144xf32, #tpu.memory_space<vmem_shared>>
      tpu.wait_dma2 semaphore(%run_scoped3A : memref<!tpu.dma_semaphore, #tpu.memory_space<semaphore_mem>>) src(%arg13 : memref<40x144xf32, #tpu.memory_space<vmem>>) dst(%dma_wait3A_288 : memref<40x144xf32, #tpu.memory_space<vmem_shared>>)
      tpu.yield
    }) : () -> ()
    %add3A_23 = arith.constant 280 : i32
    %add3A_24 = arith.addi %mul3A_8, %add3A_23 : i32
    "tpu.region"() ({
      %run_scoped3A = tpu.sem_alloc : memref<!tpu.dma_semaphore, #tpu.memory_space<semaphore_mem>>
      %dma_start3A_281 = arith.constant 0 : i32
      %dma_start3A_282 = tpu.memref_slice %arg14[%add3A_24, %dma_start3A_281] : memref<10240x144xf32, #tpu.memory_space<vmem_shared>> -> memref<40x144xf32, #tpu.memory_space<vmem_shared>>
      %dma_start3A_283 = arith.constant 0 : i32
      %dma_start3A_284 = tpu.memref_slice %arg14[%add3A_24, %dma_start3A_283] : memref<10240x144xf32, #tpu.memory_space<vmem_shared>> -> memref<40x144xf32, #tpu.memory_space<vmem_shared>>
      tpu.enqueue_dma source(%arg13 : memref<40x144xf32, #tpu.memory_space<vmem>>) target(%dma_start3A_284 : memref<40x144xf32, #tpu.memory_space<vmem_shared>>) target_semaphore(%run_scoped3A : memref<!tpu.dma_semaphore, #tpu.memory_space<semaphore_mem>>)
      %dma_wait3A_285 = arith.constant 0 : i32
      %dma_wait3A_286 = tpu.memref_slice %arg14[%add3A_24, %dma_wait3A_285] : memref<10240x144xf32, #tpu.memory_space<vmem_shared>> -> memref<40x144xf32, #tpu.memory_space<vmem_shared>>
      %dma_wait3A_287 = arith.constant 0 : i32
      %dma_wait3A_288 = tpu.memref_slice %arg14[%add3A_24, %dma_wait3A_287] : memref<10240x144xf32, #tpu.memory_space<vmem_shared>> -> memref<40x144xf32, #tpu.memory_space<vmem_shared>>
      tpu.wait_dma2 semaphore(%run_scoped3A : memref<!tpu.dma_semaphore, #tpu.memory_space<semaphore_mem>>) src(%arg13 : memref<40x144xf32, #tpu.memory_space<vmem>>) dst(%dma_wait3A_288 : memref<40x144xf32, #tpu.memory_space<vmem_shared>>)
      tpu.yield
    }) : () -> ()
    %add3A_25 = arith.constant 320 : i32
    %add3A_26 = arith.addi %mul3A_8, %add3A_25 : i32
    "tpu.region"() ({
      %run_scoped3A = tpu.sem_alloc : memref<!tpu.dma_semaphore, #tpu.memory_space<semaphore_mem>>
      %dma_start3A_281 = arith.constant 0 : i32
      %dma_start3A_282 = tpu.memref_slice %arg14[%add3A_26, %dma_start3A_281] : memref<10240x144xf32, #tpu.memory_space<vmem_shared>> -> memref<40x144xf32, #tpu.memory_space<vmem_shared>>
      %dma_start3A_283 = arith.constant 0 : i32
      %dma_start3A_284 = tpu.memref_slice %arg14[%add3A_26, %dma_start3A_283] : memref<10240x144xf32, #tpu.memory_space<vmem_shared>> -> memref<40x144xf32, #tpu.memory_space<vmem_shared>>
      tpu.enqueue_dma source(%arg13 : memref<40x144xf32, #tpu.memory_space<vmem>>) target(%dma_start3A_284 : memref<40x144xf32, #tpu.memory_space<vmem_shared>>) target_semaphore(%run_scoped3A : memref<!tpu.dma_semaphore, #tpu.memory_space<semaphore_mem>>)
      %dma_wait3A_285 = arith.constant 0 : i32
      %dma_wait3A_286 = tpu.memref_slice %arg14[%add3A_26, %dma_wait3A_285] : memref<10240x144xf32, #tpu.memory_space<vmem_shared>> -> memref<40x144xf32, #tpu.memory_space<vmem_shared>>
      %dma_wait3A_287 = arith.constant 0 : i32
      %dma_wait3A_288 = tpu.memref_slice %arg14[%add3A_26, %dma_wait3A_287] : memref<10240x144xf32, #tpu.memory_space<vmem_shared>> -> memref<40x144xf32, #tpu.memory_space<vmem_shared>>
      tpu.wait_dma2 semaphore(%run_scoped3A : memref<!tpu.dma_semaphore, #tpu.memory_space<semaphore_mem>>) src(%arg13 : memref<40x144xf32, #tpu.memory_space<vmem>>) dst(%dma_wait3A_288 : memref<40x144xf32, #tpu.memory_space<vmem_shared>>)
      tpu.yield
    }) : () -> ()
    %add3A_27 = arith.constant 360 : i32
    %add3A_28 = arith.addi %mul3A_8, %add3A_27 : i32
    "tpu.region"() ({
      %run_scoped3A = tpu.sem_alloc : memref<!tpu.dma_semaphore, #tpu.memory_space<semaphore_mem>>
      %dma_start3A_281 = arith.constant 0 : i32
      %dma_start3A_282 = tpu.memref_slice %arg14[%add3A_28, %dma_start3A_281] : memref<10240x144xf32, #tpu.memory_space<vmem_shared>> -> memref<40x144xf32, #tpu.memory_space<vmem_shared>>
      %dma_start3A_283 = arith.constant 0 : i32
      %dma_start3A_284 = tpu.memref_slice %arg14[%add3A_28, %dma_start3A_283] : memref<10240x144xf32, #tpu.memory_space<vmem_shared>> -> memref<40x144xf32, #tpu.memory_space<vmem_shared>>
      tpu.enqueue_dma source(%arg13 : memref<40x144xf32, #tpu.memory_space<vmem>>) target(%dma_start3A_284 : memref<40x144xf32, #tpu.memory_space<vmem_shared>>) target_semaphore(%run_scoped3A : memref<!tpu.dma_semaphore, #tpu.memory_space<semaphore_mem>>)
      %dma_wait3A_285 = arith.constant 0 : i32
      %dma_wait3A_286 = tpu.memref_slice %arg14[%add3A_28, %dma_wait3A_285] : memref<10240x144xf32, #tpu.memory_space<vmem_shared>> -> memref<40x144xf32, #tpu.memory_space<vmem_shared>>
      %dma_wait3A_287 = arith.constant 0 : i32
      %dma_wait3A_288 = tpu.memref_slice %arg14[%add3A_28, %dma_wait3A_287] : memref<10240x144xf32, #tpu.memory_space<vmem_shared>> -> memref<40x144xf32, #tpu.memory_space<vmem_shared>>
      tpu.wait_dma2 semaphore(%run_scoped3A : memref<!tpu.dma_semaphore, #tpu.memory_space<semaphore_mem>>) src(%arg13 : memref<40x144xf32, #tpu.memory_space<vmem>>) dst(%dma_wait3A_288 : memref<40x144xf32, #tpu.memory_space<vmem_shared>>)
      tpu.yield
    }) : () -> ()
    %add3A_29 = arith.constant 400 : i32
    %add3A_30 = arith.addi %mul3A_8, %add3A_29 : i32
    "tpu.region"() ({
      %run_scoped3A = tpu.sem_alloc : memref<!tpu.dma_semaphore, #tpu.memory_space<semaphore_mem>>
      %dma_start3A_281 = arith.constant 0 : i32
      %dma_start3A_282 = tpu.memref_slice %arg14[%add3A_30, %dma_start3A_281] : memref<10240x144xf32, #tpu.memory_space<vmem_shared>> -> memref<40x144xf32, #tpu.memory_space<vmem_shared>>
      %dma_start3A_283 = arith.constant 0 : i32
      %dma_start3A_284 = tpu.memref_slice %arg14[%add3A_30, %dma_start3A_283] : memref<10240x144xf32, #tpu.memory_space<vmem_shared>> -> memref<40x144xf32, #tpu.memory_space<vmem_shared>>
      tpu.enqueue_dma source(%arg13 : memref<40x144xf32, #tpu.memory_space<vmem>>) target(%dma_start3A_284 : memref<40x144xf32, #tpu.memory_space<vmem_shared>>) target_semaphore(%run_scoped3A : memref<!tpu.dma_semaphore, #tpu.memory_space<semaphore_mem>>)
      %dma_wait3A_285 = arith.constant 0 : i32
      %dma_wait3A_286 = tpu.memref_slice %arg14[%add3A_30, %dma_wait3A_285] : memref<10240x144xf32, #tpu.memory_space<vmem_shared>> -> memref<40x144xf32, #tpu.memory_space<vmem_shared>>
      %dma_wait3A_287 = arith.constant 0 : i32
      %dma_wait3A_288 = tpu.memref_slice %arg14[%add3A_30, %dma_wait3A_287] : memref<10240x144xf32, #tpu.memory_space<vmem_shared>> -> memref<40x144xf32, #tpu.memory_space<vmem_shared>>
      tpu.wait_dma2 semaphore(%run_scoped3A : memref<!tpu.dma_semaphore, #tpu.memory_space<semaphore_mem>>) src(%arg13 : memref<40x144xf32, #tpu.memory_space<vmem>>) dst(%dma_wait3A_288 : memref<40x144xf32, #tpu.memory_space<vmem_shared>>)
      tpu.yield
    }) : () -> ()
    %add3A_31 = arith.constant 440 : i32
    %add3A_32 = arith.addi %mul3A_8, %add3A_31 : i32
    "tpu.region"() ({
      %run_scoped3A = tpu.sem_alloc : memref<!tpu.dma_semaphore, #tpu.memory_space<semaphore_mem>>
      %dma_start3A_281 = arith.constant 0 : i32
      %dma_start3A_282 = tpu.memref_slice %arg14[%add3A_32, %dma_start3A_281] : memref<10240x144xf32, #tpu.memory_space<vmem_shared>> -> memref<40x144xf32, #tpu.memory_space<vmem_shared>>
      %dma_start3A_283 = arith.constant 0 : i32
      %dma_start3A_284 = tpu.memref_slice %arg14[%add3A_32, %dma_start3A_283] : memref<10240x144xf32, #tpu.memory_space<vmem_shared>> -> memref<40x144xf32, #tpu.memory_space<vmem_shared>>
      tpu.enqueue_dma source(%arg13 : memref<40x144xf32, #tpu.memory_space<vmem>>) target(%dma_start3A_284 : memref<40x144xf32, #tpu.memory_space<vmem_shared>>) target_semaphore(%run_scoped3A : memref<!tpu.dma_semaphore, #tpu.memory_space<semaphore_mem>>)
      %dma_wait3A_285 = arith.constant 0 : i32
      %dma_wait3A_286 = tpu.memref_slice %arg14[%add3A_32, %dma_wait3A_285] : memref<10240x144xf32, #tpu.memory_space<vmem_shared>> -> memref<40x144xf32, #tpu.memory_space<vmem_shared>>
      %dma_wait3A_287 = arith.constant 0 : i32
      %dma_wait3A_288 = tpu.memref_slice %arg14[%add3A_32, %dma_wait3A_287] : memref<10240x144xf32, #tpu.memory_space<vmem_shared>> -> memref<40x144xf32, #tpu.memory_space<vmem_shared>>
      tpu.wait_dma2 semaphore(%run_scoped3A : memref<!tpu.dma_semaphore, #tpu.memory_space<semaphore_mem>>) src(%arg13 : memref<40x144xf32, #tpu.memory_space<vmem>>) dst(%dma_wait3A_288 : memref<40x144xf32, #tpu.memory_space<vmem_shared>>)
      tpu.yield
    }) : () -> ()
    %add3A_33 = arith.constant 480 : i32
    %add3A_34 = arith.addi %mul3A_8, %add3A_33 : i32
    "tpu.region"() ({
      %run_scoped3A = tpu.sem_alloc : memref<!tpu.dma_semaphore, #tpu.memory_space<semaphore_mem>>
      %dma_start3A_281 = arith.constant 0 : i32
      %dma_start3A_282 = tpu.memref_slice %arg14[%add3A_34, %dma_start3A_281] : memref<10240x144xf32, #tpu.memory_space<vmem_shared>> -> memref<40x144xf32, #tpu.memory_space<vmem_shared>>
      %dma_start3A_283 = arith.constant 0 : i32
      %dma_start3A_284 = tpu.memref_slice %arg14[%add3A_34, %dma_start3A_283] : memref<10240x144xf32, #tpu.memory_space<vmem_shared>> -> memref<40x144xf32, #tpu.memory_space<vmem_shared>>
      tpu.enqueue_dma source(%arg13 : memref<40x144xf32, #tpu.memory_space<vmem>>) target(%dma_start3A_284 : memref<40x144xf32, #tpu.memory_space<vmem_shared>>) target_semaphore(%run_scoped3A : memref<!tpu.dma_semaphore, #tpu.memory_space<semaphore_mem>>)
      %dma_wait3A_285 = arith.constant 0 : i32
      %dma_wait3A_286 = tpu.memref_slice %arg14[%add3A_34, %dma_wait3A_285] : memref<10240x144xf32, #tpu.memory_space<vmem_shared>> -> memref<40x144xf32, #tpu.memory_space<vmem_shared>>
      %dma_wait3A_287 = arith.constant 0 : i32
      %dma_wait3A_288 = tpu.memref_slice %arg14[%add3A_34, %dma_wait3A_287] : memref<10240x144xf32, #tpu.memory_space<vmem_shared>> -> memref<40x144xf32, #tpu.memory_space<vmem_shared>>
      tpu.wait_dma2 semaphore(%run_scoped3A : memref<!tpu.dma_semaphore, #tpu.memory_space<semaphore_mem>>) src(%arg13 : memref<40x144xf32, #tpu.memory_space<vmem>>) dst(%dma_wait3A_288 : memref<40x144xf32, #tpu.memory_space<vmem_shared>>)
      tpu.yield
    }) : () -> ()
    %add3A_35 = arith.constant 520 : i32
    %add3A_36 = arith.addi %mul3A_8, %add3A_35 : i32
    "tpu.region"() ({
      %run_scoped3A = tpu.sem_alloc : memref<!tpu.dma_semaphore, #tpu.memory_space<semaphore_mem>>
      %dma_start3A_281 = arith.constant 0 : i32
      %dma_start3A_282 = tpu.memref_slice %arg14[%add3A_36, %dma_start3A_281] : memref<10240x144xf32, #tpu.memory_space<vmem_shared>> -> memref<40x144xf32, #tpu.memory_space<vmem_shared>>
      %dma_start3A_283 = arith.constant 0 : i32
      %dma_start3A_284 = tpu.memref_slice %arg14[%add3A_36, %dma_start3A_283] : memref<10240x144xf32, #tpu.memory_space<vmem_shared>> -> memref<40x144xf32, #tpu.memory_space<vmem_shared>>
      tpu.enqueue_dma source(%arg13 : memref<40x144xf32, #tpu.memory_space<vmem>>) target(%dma_start3A_284 : memref<40x144xf32, #tpu.memory_space<vmem_shared>>) target_semaphore(%run_scoped3A : memref<!tpu.dma_semaphore, #tpu.memory_space<semaphore_mem>>)
      %dma_wait3A_285 = arith.constant 0 : i32
      %dma_wait3A_286 = tpu.memref_slice %arg14[%add3A_36, %dma_wait3A_285] : memref<10240x144xf32, #tpu.memory_space<vmem_shared>> -> memref<40x144xf32, #tpu.memory_space<vmem_shared>>
      %dma_wait3A_287 = arith.constant 0 : i32
      %dma_wait3A_288 = tpu.memref_slice %arg14[%add3A_36, %dma_wait3A_287] : memref<10240x144xf32, #tpu.memory_space<vmem_shared>> -> memref<40x144xf32, #tpu.memory_space<vmem_shared>>
      tpu.wait_dma2 semaphore(%run_scoped3A : memref<!tpu.dma_semaphore, #tpu.memory_space<semaphore_mem>>) src(%arg13 : memref<40x144xf32, #tpu.memory_space<vmem>>) dst(%dma_wait3A_288 : memref<40x144xf32, #tpu.memory_space<vmem_shared>>)
      tpu.yield
    }) : () -> ()
    %add3A_37 = arith.constant 560 : i32
    %add3A_38 = arith.addi %mul3A_8, %add3A_37 : i32
    "tpu.region"() ({
      %run_scoped3A = tpu.sem_alloc : memref<!tpu.dma_semaphore, #tpu.memory_space<semaphore_mem>>
      %dma_start3A_281 = arith.constant 0 : i32
      %dma_start3A_282 = tpu.memref_slice %arg14[%add3A_38, %dma_start3A_281] : memref<10240x144xf32, #tpu.memory_space<vmem_shared>> -> memref<40x144xf32, #tpu.memory_space<vmem_shared>>
      %dma_start3A_283 = arith.constant 0 : i32
      %dma_start3A_284 = tpu.memref_slice %arg14[%add3A_38, %dma_start3A_283] : memref<10240x144xf32, #tpu.memory_space<vmem_shared>> -> memref<40x144xf32, #tpu.memory_space<vmem_shared>>
      tpu.enqueue_dma source(%arg13 : memref<40x144xf32, #tpu.memory_space<vmem>>) target(%dma_start3A_284 : memref<40x144xf32, #tpu.memory_space<vmem_shared>>) target_semaphore(%run_scoped3A : memref<!tpu.dma_semaphore, #tpu.memory_space<semaphore_mem>>)
      %dma_wait3A_285 = arith.constant 0 : i32
      %dma_wait3A_286 = tpu.memref_slice %arg14[%add3A_38, %dma_wait3A_285] : memref<10240x144xf32, #tpu.memory_space<vmem_shared>> -> memref<40x144xf32, #tpu.memory_space<vmem_shared>>
      %dma_wait3A_287 = arith.constant 0 : i32
      %dma_wait3A_288 = tpu.memref_slice %arg14[%add3A_38, %dma_wait3A_287] : memref<10240x144xf32, #tpu.memory_space<vmem_shared>> -> memref<40x144xf32, #tpu.memory_space<vmem_shared>>
      tpu.wait_dma2 semaphore(%run_scoped3A : memref<!tpu.dma_semaphore, #tpu.memory_space<semaphore_mem>>) src(%arg13 : memref<40x144xf32, #tpu.memory_space<vmem>>) dst(%dma_wait3A_288 : memref<40x144xf32, #tpu.memory_space<vmem_shared>>)
      tpu.yield
    }) : () -> ()
    %add3A_39 = arith.constant 600 : i32
    %add3A_40 = arith.addi %mul3A_8, %add3A_39 : i32
    "tpu.region"() ({
      %run_scoped3A = tpu.sem_alloc : memref<!tpu.dma_semaphore, #tpu.memory_space<semaphore_mem>>
      %dma_start3A_281 = arith.constant 0 : i32
      %dma_start3A_282 = tpu.memref_slice %arg14[%add3A_40, %dma_start3A_281] : memref<10240x144xf32, #tpu.memory_space<vmem_shared>> -> memref<40x144xf32, #tpu.memory_space<vmem_shared>>
      %dma_start3A_283 = arith.constant 0 : i32
      %dma_start3A_284 = tpu.memref_slice %arg14[%add3A_40, %dma_start3A_283] : memref<10240x144xf32, #tpu.memory_space<vmem_shared>> -> memref<40x144xf32, #tpu.memory_space<vmem_shared>>
      tpu.enqueue_dma source(%arg13 : memref<40x144xf32, #tpu.memory_space<vmem>>) target(%dma_start3A_284 : memref<40x144xf32, #tpu.memory_space<vmem_shared>>) target_semaphore(%run_scoped3A : memref<!tpu.dma_semaphore, #tpu.memory_space<semaphore_mem>>)
      %dma_wait3A_285 = arith.constant 0 : i32
      %dma_wait3A_286 = tpu.memref_slice %arg14[%add3A_40, %dma_wait3A_285] : memref<10240x144xf32, #tpu.memory_space<vmem_shared>> -> memref<40x144xf32, #tpu.memory_space<vmem_shared>>
      %dma_wait3A_287 = arith.constant 0 : i32
      %dma_wait3A_288 = tpu.memref_slice %arg14[%add3A_40, %dma_wait3A_287] : memref<10240x144xf32, #tpu.memory_space<vmem_shared>> -> memref<40x144xf32, #tpu.memory_space<vmem_shared>>
      tpu.wait_dma2 semaphore(%run_scoped3A : memref<!tpu.dma_semaphore, #tpu.memory_space<semaphore_mem>>) src(%arg13 : memref<40x144xf32, #tpu.memory_space<vmem>>) dst(%dma_wait3A_288 : memref<40x144xf32, #tpu.memory_space<vmem_shared>>)
      tpu.yield
    }) : () -> ()
    %barrier3A = arith.constant 0 : index
    tpu.barrier barrier_id(%barrier3A)
    %mul3A_41 = arith.constant 10000 : i32
    %mul3A_42 = arith.muli %add3A, %mul3A_41 : i32
    %iota3A = tpu.iota {dimensions = array<i32: 0>} : vector<16xi32>
    %xor3A = arith.constant 8 : i32
    %xor3A_43 = vector.broadcast %xor3A : i32 to vector<16xi32>
    %xor3A_44 = arith.xori %iota3A, %xor3A_43 : vector<16xi32>
    %dma_start3A = arith.constant 0 : i32
    %dma_start3A_45 = arith.constant 0 : i32
    %dma_start3A_46 = tpu.memref_slice %arg7[%dma_start3A, %dma_start3A_45] : memref<2x200xi32, #tpu.memory_space<vmem>> -> memref<1x200xi32, #tpu.memory_space<vmem>>
    %dma_start3A_47 = tpu.memref_squeeze %dma_start3A_46 : memref<1x200xi32, #tpu.memory_space<vmem>> -> memref<200xi32, #tpu.memory_space<vmem>>
    %dma_start3A_48 = tpu.memref_slice %arg2[%mul3A_42] : memref<320000xi32, #tpu.memory_space<hbm>> -> memref<200xi32, #tpu.memory_space<hbm>>
    %dma_start3A_49 = arith.constant 0 : i32
    %dma_start3A_50 = tpu.memref_slice %arg7[%dma_start3A, %dma_start3A_49] : memref<2x200xi32, #tpu.memory_space<vmem>> -> memref<1x200xi32, #tpu.memory_space<vmem>>
    %dma_start3A_51 = tpu.memref_squeeze %dma_start3A_50 : memref<1x200xi32, #tpu.memory_space<vmem>> -> memref<200xi32, #tpu.memory_space<vmem>>
    %dma_start3A_52 = tpu.memref_slice %arg2[%mul3A_42] : memref<320000xi32, #tpu.memory_space<hbm>> -> memref<200xi32, #tpu.memory_space<hbm>>
    tpu.enqueue_dma source(%dma_start3A_52 : memref<200xi32, #tpu.memory_space<hbm>>) target(%dma_start3A_51 : memref<200xi32, #tpu.memory_space<vmem>>) target_semaphore(%arg15 : memref<!tpu.dma_semaphore, #tpu.memory_space<semaphore_mem>>)
    %add3A_53 = arith.constant 0 : i32
    %add3A_54 = arith.addi %mul3A_42, %add3A_53 : i32
    %dma_start3A_55 = arith.constant 0 : i32
    %dma_start3A_56 = arith.constant 0 : i32
    %dma_start3A_57 = arith.constant 0 : i32
    %dma_start3A_58 = tpu.memref_slice %arg8[%dma_start3A_55, %dma_start3A_56, %dma_start3A_57] : memref<2x5x40xi32, #tpu.memory_space<vmem>> -> memref<1x1x40xi32, #tpu.memory_space<vmem>>
    %dma_start3A_59 = tpu.memref_squeeze %dma_start3A_58 : memref<1x1x40xi32, #tpu.memory_space<vmem>> -> memref<40xi32, #tpu.memory_space<vmem>>
    %dma_start3A_60 = tpu.memref_slice %arg3[%add3A_54] : memref<320000xi32, #tpu.memory_space<hbm>> -> memref<40xi32, #tpu.memory_space<hbm>>
    %dma_start3A_61 = arith.constant 0 : i32
    %dma_start3A_62 = tpu.memref_slice %arg8[%dma_start3A_55, %dma_start3A_56, %dma_start3A_61] : memref<2x5x40xi32, #tpu.memory_space<vmem>> -> memref<1x1x40xi32, #tpu.memory_space<vmem>>
    %dma_start3A_63 = tpu.memref_squeeze %dma_start3A_62 : memref<1x1x40xi32, #tpu.memory_space<vmem>> -> memref<40xi32, #tpu.memory_space<vmem>>
    %dma_start3A_64 = tpu.memref_slice %arg3[%add3A_54] : memref<320000xi32, #tpu.memory_space<hbm>> -> memref<40xi32, #tpu.memory_space<hbm>>
    tpu.enqueue_dma source(%dma_start3A_64 : memref<40xi32, #tpu.memory_space<hbm>>) target(%dma_start3A_63 : memref<40xi32, #tpu.memory_space<vmem>>) target_semaphore(%arg15 : memref<!tpu.dma_semaphore, #tpu.memory_space<semaphore_mem>>)
    %add3A_65 = arith.constant 40 : i32
    %add3A_66 = arith.addi %mul3A_42, %add3A_65 : i32
    %dma_start3A_67 = arith.constant 0 : i32
    %dma_start3A_68 = arith.constant 1 : i32
    %dma_start3A_69 = arith.constant 0 : i32
    %dma_start3A_70 = tpu.memref_slice %arg8[%dma_start3A_67, %dma_start3A_68, %dma_start3A_69] : memref<2x5x40xi32, #tpu.memory_space<vmem>> -> memref<1x1x40xi32, #tpu.memory_space<vmem>>
    %dma_start3A_71 = tpu.memref_squeeze %dma_start3A_70 : memref<1x1x40xi32, #tpu.memory_space<vmem>> -> memref<40xi32, #tpu.memory_space<vmem>>
    %dma_start3A_72 = tpu.memref_slice %arg3[%add3A_66] : memref<320000xi32, #tpu.memory_space<hbm>> -> memref<40xi32, #tpu.memory_space<hbm>>
    %dma_start3A_73 = arith.constant 0 : i32
    %dma_start3A_74 = tpu.memref_slice %arg8[%dma_start3A_67, %dma_start3A_68, %dma_start3A_73] : memref<2x5x40xi32, #tpu.memory_space<vmem>> -> memref<1x1x40xi32, #tpu.memory_space<vmem>>
    %dma_start3A_75 = tpu.memref_squeeze %dma_start3A_74 : memref<1x1x40xi32, #tpu.memory_space<vmem>> -> memref<40xi32, #tpu.memory_space<vmem>>
    %dma_start3A_76 = tpu.memref_slice %arg3[%add3A_66] : memref<320000xi32, #tpu.memory_space<hbm>> -> memref<40xi32, #tpu.memory_space<hbm>>
    tpu.enqueue_dma source(%dma_start3A_76 : memref<40xi32, #tpu.memory_space<hbm>>) target(%dma_start3A_75 : memref<40xi32, #tpu.memory_space<vmem>>) target_semaphore(%arg15 : memref<!tpu.dma_semaphore, #tpu.memory_space<semaphore_mem>>)
    %add3A_77 = arith.constant 80 : i32
    %add3A_78 = arith.addi %mul3A_42, %add3A_77 : i32
    %dma_start3A_79 = arith.constant 0 : i32
    %dma_start3A_80 = arith.constant 2 : i32
    %dma_start3A_81 = arith.constant 0 : i32
    %dma_start3A_82 = tpu.memref_slice %arg8[%dma_start3A_79, %dma_start3A_80, %dma_start3A_81] : memref<2x5x40xi32, #tpu.memory_space<vmem>> -> memref<1x1x40xi32, #tpu.memory_space<vmem>>
    %dma_start3A_83 = tpu.memref_squeeze %dma_start3A_82 : memref<1x1x40xi32, #tpu.memory_space<vmem>> -> memref<40xi32, #tpu.memory_space<vmem>>
    %dma_start3A_84 = tpu.memref_slice %arg3[%add3A_78] : memref<320000xi32, #tpu.memory_space<hbm>> -> memref<40xi32, #tpu.memory_space<hbm>>
    %dma_start3A_85 = arith.constant 0 : i32
    %dma_start3A_86 = tpu.memref_slice %arg8[%dma_start3A_79, %dma_start3A_80, %dma_start3A_85] : memref<2x5x40xi32, #tpu.memory_space<vmem>> -> memref<1x1x40xi32, #tpu.memory_space<vmem>>
    %dma_start3A_87 = tpu.memref_squeeze %dma_start3A_86 : memref<1x1x40xi32, #tpu.memory_space<vmem>> -> memref<40xi32, #tpu.memory_space<vmem>>
    %dma_start3A_88 = tpu.memref_slice %arg3[%add3A_78] : memref<320000xi32, #tpu.memory_space<hbm>> -> memref<40xi32, #tpu.memory_space<hbm>>
    tpu.enqueue_dma source(%dma_start3A_88 : memref<40xi32, #tpu.memory_space<hbm>>) target(%dma_start3A_87 : memref<40xi32, #tpu.memory_space<vmem>>) target_semaphore(%arg15 : memref<!tpu.dma_semaphore, #tpu.memory_space<semaphore_mem>>)
    %add3A_89 = arith.constant 120 : i32
    %add3A_90 = arith.addi %mul3A_42, %add3A_89 : i32
    %dma_start3A_91 = arith.constant 0 : i32
    %dma_start3A_92 = arith.constant 3 : i32
    %dma_start3A_93 = arith.constant 0 : i32
    %dma_start3A_94 = tpu.memref_slice %arg8[%dma_start3A_91, %dma_start3A_92, %dma_start3A_93] : memref<2x5x40xi32, #tpu.memory_space<vmem>> -> memref<1x1x40xi32, #tpu.memory_space<vmem>>
    %dma_start3A_95 = tpu.memref_squeeze %dma_start3A_94 : memref<1x1x40xi32, #tpu.memory_space<vmem>> -> memref<40xi32, #tpu.memory_space<vmem>>
    %dma_start3A_96 = tpu.memref_slice %arg3[%add3A_90] : memref<320000xi32, #tpu.memory_space<hbm>> -> memref<40xi32, #tpu.memory_space<hbm>>
    %dma_start3A_97 = arith.constant 0 : i32
    %dma_start3A_98 = tpu.memref_slice %arg8[%dma_start3A_91, %dma_start3A_92, %dma_start3A_97] : memref<2x5x40xi32, #tpu.memory_space<vmem>> -> memref<1x1x40xi32, #tpu.memory_space<vmem>>
    %dma_start3A_99 = tpu.memref_squeeze %dma_start3A_98 : memref<1x1x40xi32, #tpu.memory_space<vmem>> -> memref<40xi32, #tpu.memory_space<vmem>>
    %dma_start3A_100 = tpu.memref_slice %arg3[%add3A_90] : memref<320000xi32, #tpu.memory_space<hbm>> -> memref<40xi32, #tpu.memory_space<hbm>>
    tpu.enqueue_dma source(%dma_start3A_100 : memref<40xi32, #tpu.memory_space<hbm>>) target(%dma_start3A_99 : memref<40xi32, #tpu.memory_space<vmem>>) target_semaphore(%arg15 : memref<!tpu.dma_semaphore, #tpu.memory_space<semaphore_mem>>)
    %add3A_101 = arith.constant 160 : i32
    %add3A_102 = arith.addi %mul3A_42, %add3A_101 : i32
    %dma_start3A_103 = arith.constant 0 : i32
    %dma_start3A_104 = arith.constant 4 : i32
    %dma_start3A_105 = arith.constant 0 : i32
    %dma_start3A_106 = tpu.memref_slice %arg8[%dma_start3A_103, %dma_start3A_104, %dma_start3A_105] : memref<2x5x40xi32, #tpu.memory_space<vmem>> -> memref<1x1x40xi32, #tpu.memory_space<vmem>>
    %dma_start3A_107 = tpu.memref_squeeze %dma_start3A_106 : memref<1x1x40xi32, #tpu.memory_space<vmem>> -> memref<40xi32, #tpu.memory_space<vmem>>
    %dma_start3A_108 = tpu.memref_slice %arg3[%add3A_102] : memref<320000xi32, #tpu.memory_space<hbm>> -> memref<40xi32, #tpu.memory_space<hbm>>
    %dma_start3A_109 = arith.constant 0 : i32
    %dma_start3A_110 = tpu.memref_slice %arg8[%dma_start3A_103, %dma_start3A_104, %dma_start3A_109] : memref<2x5x40xi32, #tpu.memory_space<vmem>> -> memref<1x1x40xi32, #tpu.memory_space<vmem>>
    %dma_start3A_111 = tpu.memref_squeeze %dma_start3A_110 : memref<1x1x40xi32, #tpu.memory_space<vmem>> -> memref<40xi32, #tpu.memory_space<vmem>>
    %dma_start3A_112 = tpu.memref_slice %arg3[%add3A_102] : memref<320000xi32, #tpu.memory_space<hbm>> -> memref<40xi32, #tpu.memory_space<hbm>>
    tpu.enqueue_dma source(%dma_start3A_112 : memref<40xi32, #tpu.memory_space<hbm>>) target(%dma_start3A_111 : memref<40xi32, #tpu.memory_space<vmem>>) target_semaphore(%arg15 : memref<!tpu.dma_semaphore, #tpu.memory_space<semaphore_mem>>)
    %add3A_113 = arith.constant 200 : i32
    %add3A_114 = arith.addi %mul3A_42, %add3A_113 : i32
    %dma_start3A_115 = arith.constant 1 : i32
    %dma_start3A_116 = arith.constant 0 : i32
    %dma_start3A_117 = tpu.memref_slice %arg7[%dma_start3A_115, %dma_start3A_116] : memref<2x200xi32, #tpu.memory_space<vmem>> -> memref<1x200xi32, #tpu.memory_space<vmem>>
    %dma_start3A_118 = tpu.memref_squeeze %dma_start3A_117 : memref<1x200xi32, #tpu.memory_space<vmem>> -> memref<200xi32, #tpu.memory_space<vmem>>
    %dma_start3A_119 = tpu.memref_slice %arg2[%add3A_114] : memref<320000xi32, #tpu.memory_space<hbm>> -> memref<200xi32, #tpu.memory_space<hbm>>
    %dma_start3A_120 = arith.constant 0 : i32
    %dma_start3A_121 = tpu.memref_slice %arg7[%dma_start3A_115, %dma_start3A_120] : memref<2x200xi32, #tpu.memory_space<vmem>> -> memref<1x200xi32, #tpu.memory_space<vmem>>
    %dma_start3A_122 = tpu.memref_squeeze %dma_start3A_121 : memref<1x200xi32, #tpu.memory_space<vmem>> -> memref<200xi32, #tpu.memory_space<vmem>>
    %dma_start3A_123 = tpu.memref_slice %arg2[%add3A_114] : memref<320000xi32, #tpu.memory_space<hbm>> -> memref<200xi32, #tpu.memory_space<hbm>>
    tpu.enqueue_dma source(%dma_start3A_123 : memref<200xi32, #tpu.memory_space<hbm>>) target(%dma_start3A_122 : memref<200xi32, #tpu.memory_space<vmem>>) target_semaphore(%arg16 : memref<!tpu.dma_semaphore, #tpu.memory_space<semaphore_mem>>)
    %add3A_124 = arith.constant 0 : i32
    %add3A_125 = arith.addi %add3A_114, %add3A_124 : i32
    %dma_start3A_126 = arith.constant 1 : i32
    %dma_start3A_127 = arith.constant 0 : i32
    %dma_start3A_128 = arith.constant 0 : i32
    %dma_start3A_129 = tpu.memref_slice %arg8[%dma_start3A_126, %dma_start3A_127, %dma_start3A_128] : memref<2x5x40xi32, #tpu.memory_space<vmem>> -> memref<1x1x40xi32, #tpu.memory_space<vmem>>
    %dma_start3A_130 = tpu.memref_squeeze %dma_start3A_129 : memref<1x1x40xi32, #tpu.memory_space<vmem>> -> memref<40xi32, #tpu.memory_space<vmem>>
    %dma_start3A_131 = tpu.memref_slice %arg3[%add3A_125] : memref<320000xi32, #tpu.memory_space<hbm>> -> memref<40xi32, #tpu.memory_space<hbm>>
    %dma_start3A_132 = arith.constant 0 : i32
    %dma_start3A_133 = tpu.memref_slice %arg8[%dma_start3A_126, %dma_start3A_127, %dma_start3A_132] : memref<2x5x40xi32, #tpu.memory_space<vmem>> -> memref<1x1x40xi32, #tpu.memory_space<vmem>>
    %dma_start3A_134 = tpu.memref_squeeze %dma_start3A_133 : memref<1x1x40xi32, #tpu.memory_space<vmem>> -> memref<40xi32, #tpu.memory_space<vmem>>
    %dma_start3A_135 = tpu.memref_slice %arg3[%add3A_125] : memref<320000xi32, #tpu.memory_space<hbm>> -> memref<40xi32, #tpu.memory_space<hbm>>
    tpu.enqueue_dma source(%dma_start3A_135 : memref<40xi32, #tpu.memory_space<hbm>>) target(%dma_start3A_134 : memref<40xi32, #tpu.memory_space<vmem>>) target_semaphore(%arg16 : memref<!tpu.dma_semaphore, #tpu.memory_space<semaphore_mem>>)
    %add3A_136 = arith.constant 40 : i32
    %add3A_137 = arith.addi %add3A_114, %add3A_136 : i32
    %dma_start3A_138 = arith.constant 1 : i32
    %dma_start3A_139 = arith.constant 1 : i32
    %dma_start3A_140 = arith.constant 0 : i32
    %dma_start3A_141 = tpu.memref_slice %arg8[%dma_start3A_138, %dma_start3A_139, %dma_start3A_140] : memref<2x5x40xi32, #tpu.memory_space<vmem>> -> memref<1x1x40xi32, #tpu.memory_space<vmem>>
    %dma_start3A_142 = tpu.memref_squeeze %dma_start3A_141 : memref<1x1x40xi32, #tpu.memory_space<vmem>> -> memref<40xi32, #tpu.memory_space<vmem>>
    %dma_start3A_143 = tpu.memref_slice %arg3[%add3A_137] : memref<320000xi32, #tpu.memory_space<hbm>> -> memref<40xi32, #tpu.memory_space<hbm>>
    %dma_start3A_144 = arith.constant 0 : i32
    %dma_start3A_145 = tpu.memref_slice %arg8[%dma_start3A_138, %dma_start3A_139, %dma_start3A_144] : memref<2x5x40xi32, #tpu.memory_space<vmem>> -> memref<1x1x40xi32, #tpu.memory_space<vmem>>
    %dma_start3A_146 = tpu.memref_squeeze %dma_start3A_145 : memref<1x1x40xi32, #tpu.memory_space<vmem>> -> memref<40xi32, #tpu.memory_space<vmem>>
    %dma_start3A_147 = tpu.memref_slice %arg3[%add3A_137] : memref<320000xi32, #tpu.memory_space<hbm>> -> memref<40xi32, #tpu.memory_space<hbm>>
    tpu.enqueue_dma source(%dma_start3A_147 : memref<40xi32, #tpu.memory_space<hbm>>) target(%dma_start3A_146 : memref<40xi32, #tpu.memory_space<vmem>>) target_semaphore(%arg16 : memref<!tpu.dma_semaphore, #tpu.memory_space<semaphore_mem>>)
    %add3A_148 = arith.constant 80 : i32
    %add3A_149 = arith.addi %add3A_114, %add3A_148 : i32
    %dma_start3A_150 = arith.constant 1 : i32
    %dma_start3A_151 = arith.constant 2 : i32
    %dma_start3A_152 = arith.constant 0 : i32
    %dma_start3A_153 = tpu.memref_slice %arg8[%dma_start3A_150, %dma_start3A_151, %dma_start3A_152] : memref<2x5x40xi32, #tpu.memory_space<vmem>> -> memref<1x1x40xi32, #tpu.memory_space<vmem>>
    %dma_start3A_154 = tpu.memref_squeeze %dma_start3A_153 : memref<1x1x40xi32, #tpu.memory_space<vmem>> -> memref<40xi32, #tpu.memory_space<vmem>>
    %dma_start3A_155 = tpu.memref_slice %arg3[%add3A_149] : memref<320000xi32, #tpu.memory_space<hbm>> -> memref<40xi32, #tpu.memory_space<hbm>>
    %dma_start3A_156 = arith.constant 0 : i32
    %dma_start3A_157 = tpu.memref_slice %arg8[%dma_start3A_150, %dma_start3A_151, %dma_start3A_156] : memref<2x5x40xi32, #tpu.memory_space<vmem>> -> memref<1x1x40xi32, #tpu.memory_space<vmem>>
    %dma_start3A_158 = tpu.memref_squeeze %dma_start3A_157 : memref<1x1x40xi32, #tpu.memory_space<vmem>> -> memref<40xi32, #tpu.memory_space<vmem>>
    %dma_start3A_159 = tpu.memref_slice %arg3[%add3A_149] : memref<320000xi32, #tpu.memory_space<hbm>> -> memref<40xi32, #tpu.memory_space<hbm>>
    tpu.enqueue_dma source(%dma_start3A_159 : memref<40xi32, #tpu.memory_space<hbm>>) target(%dma_start3A_158 : memref<40xi32, #tpu.memory_space<vmem>>) target_semaphore(%arg16 : memref<!tpu.dma_semaphore, #tpu.memory_space<semaphore_mem>>)
    %add3A_160 = arith.constant 120 : i32
    %add3A_161 = arith.addi %add3A_114, %add3A_160 : i32
    %dma_start3A_162 = arith.constant 1 : i32
    %dma_start3A_163 = arith.constant 3 : i32
    %dma_start3A_164 = arith.constant 0 : i32
    %dma_start3A_165 = tpu.memref_slice %arg8[%dma_start3A_162, %dma_start3A_163, %dma_start3A_164] : memref<2x5x40xi32, #tpu.memory_space<vmem>> -> memref<1x1x40xi32, #tpu.memory_space<vmem>>
    %dma_start3A_166 = tpu.memref_squeeze %dma_start3A_165 : memref<1x1x40xi32, #tpu.memory_space<vmem>> -> memref<40xi32, #tpu.memory_space<vmem>>
    %dma_start3A_167 = tpu.memref_slice %arg3[%add3A_161] : memref<320000xi32, #tpu.memory_space<hbm>> -> memref<40xi32, #tpu.memory_space<hbm>>
    %dma_start3A_168 = arith.constant 0 : i32
    %dma_start3A_169 = tpu.memref_slice %arg8[%dma_start3A_162, %dma_start3A_163, %dma_start3A_168] : memref<2x5x40xi32, #tpu.memory_space<vmem>> -> memref<1x1x40xi32, #tpu.memory_space<vmem>>
    %dma_start3A_170 = tpu.memref_squeeze %dma_start3A_169 : memref<1x1x40xi32, #tpu.memory_space<vmem>> -> memref<40xi32, #tpu.memory_space<vmem>>
    %dma_start3A_171 = tpu.memref_slice %arg3[%add3A_161] : memref<320000xi32, #tpu.memory_space<hbm>> -> memref<40xi32, #tpu.memory_space<hbm>>
    tpu.enqueue_dma source(%dma_start3A_171 : memref<40xi32, #tpu.memory_space<hbm>>) target(%dma_start3A_170 : memref<40xi32, #tpu.memory_space<vmem>>) target_semaphore(%arg16 : memref<!tpu.dma_semaphore, #tpu.memory_space<semaphore_mem>>)
    %add3A_172 = arith.constant 160 : i32
    %add3A_173 = arith.addi %add3A_114, %add3A_172 : i32
    %dma_start3A_174 = arith.constant 1 : i32
    %dma_start3A_175 = arith.constant 4 : i32
    %dma_start3A_176 = arith.constant 0 : i32
    %dma_start3A_177 = tpu.memref_slice %arg8[%dma_start3A_174, %dma_start3A_175, %dma_start3A_176] : memref<2x5x40xi32, #tpu.memory_space<vmem>> -> memref<1x1x40xi32, #tpu.memory_space<vmem>>
    %dma_start3A_178 = tpu.memref_squeeze %dma_start3A_177 : memref<1x1x40xi32, #tpu.memory_space<vmem>> -> memref<40xi32, #tpu.memory_space<vmem>>
    %dma_start3A_179 = tpu.memref_slice %arg3[%add3A_173] : memref<320000xi32, #tpu.memory_space<hbm>> -> memref<40xi32, #tpu.memory_space<hbm>>
    %dma_start3A_180 = arith.constant 0 : i32
    %dma_start3A_181 = tpu.memref_slice %arg8[%dma_start3A_174, %dma_start3A_175, %dma_start3A_180] : memref<2x5x40xi32, #tpu.memory_space<vmem>> -> memref<1x1x40xi32, #tpu.memory_space<vmem>>
    %dma_start3A_182 = tpu.memref_squeeze %dma_start3A_181 : memref<1x1x40xi32, #tpu.memory_space<vmem>> -> memref<40xi32, #tpu.memory_space<vmem>>
    %dma_start3A_183 = tpu.memref_slice %arg3[%add3A_173] : memref<320000xi32, #tpu.memory_space<hbm>> -> memref<40xi32, #tpu.memory_space<hbm>>
    tpu.enqueue_dma source(%dma_start3A_183 : memref<40xi32, #tpu.memory_space<hbm>>) target(%dma_start3A_182 : memref<40xi32, #tpu.memory_space<vmem>>) target_semaphore(%arg16 : memref<!tpu.dma_semaphore, #tpu.memory_space<semaphore_mem>>)
    %dma_wait3A = arith.constant 0 : i32
    %dma_wait3A_184 = arith.constant 0 : i32
    %dma_wait3A_185 = tpu.memref_slice %arg7[%dma_wait3A, %dma_wait3A_184] : memref<2x200xi32, #tpu.memory_space<vmem>> -> memref<1x200xi32, #tpu.memory_space<vmem>>
    %dma_wait3A_186 = tpu.memref_squeeze %dma_wait3A_185 : memref<1x200xi32, #tpu.memory_space<vmem>> -> memref<200xi32, #tpu.memory_space<vmem>>
    %dma_wait3A_187 = tpu.memref_slice %arg2[%mul3A_42] : memref<320000xi32, #tpu.memory_space<hbm>> -> memref<200xi32, #tpu.memory_space<hbm>>
    %dma_wait3A_188 = arith.constant 0 : i32
    %dma_wait3A_189 = tpu.memref_slice %arg7[%dma_wait3A, %dma_wait3A_188] : memref<2x200xi32, #tpu.memory_space<vmem>> -> memref<1x200xi32, #tpu.memory_space<vmem>>
    %dma_wait3A_190 = tpu.memref_squeeze %dma_wait3A_189 : memref<1x200xi32, #tpu.memory_space<vmem>> -> memref<200xi32, #tpu.memory_space<vmem>>
    %dma_wait3A_191 = tpu.memref_slice %arg2[%mul3A_42] : memref<320000xi32, #tpu.memory_space<hbm>> -> memref<200xi32, #tpu.memory_space<hbm>>
    tpu.wait_dma2 semaphore(%arg15 : memref<!tpu.dma_semaphore, #tpu.memory_space<semaphore_mem>>) src(%dma_wait3A_191 : memref<200xi32, #tpu.memory_space<hbm>>) dst(%dma_wait3A_190 : memref<200xi32, #tpu.memory_space<vmem>>)
    %add3A_192 = arith.constant 0 : i32
    %add3A_193 = arith.addi %mul3A_42, %add3A_192 : i32
    %dma_wait3A_194 = arith.constant 0 : i32
    %dma_wait3A_195 = arith.constant 0 : i32
    %dma_wait3A_196 = arith.constant 0 : i32
    %dma_wait3A_197 = tpu.memref_slice %arg8[%dma_wait3A_194, %dma_wait3A_195, %dma_wait3A_196] : memref<2x5x40xi32, #tpu.memory_space<vmem>> -> memref<1x1x40xi32, #tpu.memory_space<vmem>>
    %dma_wait3A_198 = tpu.memref_squeeze %dma_wait3A_197 : memref<1x1x40xi32, #tpu.memory_space<vmem>> -> memref<40xi32, #tpu.memory_space<vmem>>
    %dma_wait3A_199 = tpu.memref_slice %arg3[%add3A_193] : memref<320000xi32, #tpu.memory_space<hbm>> -> memref<40xi32, #tpu.memory_space<hbm>>
    %dma_wait3A_200 = arith.constant 0 : i32
    %dma_wait3A_201 = tpu.memref_slice %arg8[%dma_wait3A_194, %dma_wait3A_195, %dma_wait3A_200] : memref<2x5x40xi32, #tpu.memory_space<vmem>> -> memref<1x1x40xi32, #tpu.memory_space<vmem>>
    %dma_wait3A_202 = tpu.memref_squeeze %dma_wait3A_201 : memref<1x1x40xi32, #tpu.memory_space<vmem>> -> memref<40xi32, #tpu.memory_space<vmem>>
    %dma_wait3A_203 = tpu.memref_slice %arg3[%add3A_193] : memref<320000xi32, #tpu.memory_space<hbm>> -> memref<40xi32, #tpu.memory_space<hbm>>
    tpu.wait_dma2 semaphore(%arg15 : memref<!tpu.dma_semaphore, #tpu.memory_space<semaphore_mem>>) src(%dma_wait3A_203 : memref<40xi32, #tpu.memory_space<hbm>>) dst(%dma_wait3A_202 : memref<40xi32, #tpu.memory_space<vmem>>)
    %add3A_204 = arith.constant 40 : i32
    %add3A_205 = arith.addi %mul3A_42, %add3A_204 : i32
    %dma_wait3A_206 = arith.constant 0 : i32
    %dma_wait3A_207 = arith.constant 1 : i32
    %dma_wait3A_208 = arith.constant 0 : i32
    %dma_wait3A_209 = tpu.memref_slice %arg8[%dma_wait3A_206, %dma_wait3A_207, %dma_wait3A_208] : memref<2x5x40xi32, #tpu.memory_space<vmem>> -> memref<1x1x40xi32, #tpu.memory_space<vmem>>
    %dma_wait3A_210 = tpu.memref_squeeze %dma_wait3A_209 : memref<1x1x40xi32, #tpu.memory_space<vmem>> -> memref<40xi32, #tpu.memory_space<vmem>>
    %dma_wait3A_211 = tpu.memref_slice %arg3[%add3A_205] : memref<320000xi32, #tpu.memory_space<hbm>> -> memref<40xi32, #tpu.memory_space<hbm>>
    %dma_wait3A_212 = arith.constant 0 : i32
    %dma_wait3A_213 = tpu.memref_slice %arg8[%dma_wait3A_206, %dma_wait3A_207, %dma_wait3A_212] : memref<2x5x40xi32, #tpu.memory_space<vmem>> -> memref<1x1x40xi32, #tpu.memory_space<vmem>>
    %dma_wait3A_214 = tpu.memref_squeeze %dma_wait3A_213 : memref<1x1x40xi32, #tpu.memory_space<vmem>> -> memref<40xi32, #tpu.memory_space<vmem>>
    %dma_wait3A_215 = tpu.memref_slice %arg3[%add3A_205] : memref<320000xi32, #tpu.memory_space<hbm>> -> memref<40xi32, #tpu.memory_space<hbm>>
    tpu.wait_dma2 semaphore(%arg15 : memref<!tpu.dma_semaphore, #tpu.memory_space<semaphore_mem>>) src(%dma_wait3A_215 : memref<40xi32, #tpu.memory_space<hbm>>) dst(%dma_wait3A_214 : memref<40xi32, #tpu.memory_space<vmem>>)
    %add3A_216 = arith.constant 80 : i32
    %add3A_217 = arith.addi %mul3A_42, %add3A_216 : i32
    %dma_wait3A_218 = arith.constant 0 : i32
    %dma_wait3A_219 = arith.constant 2 : i32
    %dma_wait3A_220 = arith.constant 0 : i32
    %dma_wait3A_221 = tpu.memref_slice %arg8[%dma_wait3A_218, %dma_wait3A_219, %dma_wait3A_220] : memref<2x5x40xi32, #tpu.memory_space<vmem>> -> memref<1x1x40xi32, #tpu.memory_space<vmem>>
    %dma_wait3A_222 = tpu.memref_squeeze %dma_wait3A_221 : memref<1x1x40xi32, #tpu.memory_space<vmem>> -> memref<40xi32, #tpu.memory_space<vmem>>
    %dma_wait3A_223 = tpu.memref_slice %arg3[%add3A_217] : memref<320000xi32, #tpu.memory_space<hbm>> -> memref<40xi32, #tpu.memory_space<hbm>>
    %dma_wait3A_224 = arith.constant 0 : i32
    %dma_wait3A_225 = tpu.memref_slice %arg8[%dma_wait3A_218, %dma_wait3A_219, %dma_wait3A_224] : memref<2x5x40xi32, #tpu.memory_space<vmem>> -> memref<1x1x40xi32, #tpu.memory_space<vmem>>
    %dma_wait3A_226 = tpu.memref_squeeze %dma_wait3A_225 : memref<1x1x40xi32, #tpu.memory_space<vmem>> -> memref<40xi32, #tpu.memory_space<vmem>>
    %dma_wait3A_227 = tpu.memref_slice %arg3[%add3A_217] : memref<320000xi32, #tpu.memory_space<hbm>> -> memref<40xi32, #tpu.memory_space<hbm>>
    tpu.wait_dma2 semaphore(%arg15 : memref<!tpu.dma_semaphore, #tpu.memory_space<semaphore_mem>>) src(%dma_wait3A_227 : memref<40xi32, #tpu.memory_space<hbm>>) dst(%dma_wait3A_226 : memref<40xi32, #tpu.memory_space<vmem>>)
    %add3A_228 = arith.constant 120 : i32
    %add3A_229 = arith.addi %mul3A_42, %add3A_228 : i32
    %dma_wait3A_230 = arith.constant 0 : i32
    %dma_wait3A_231 = arith.constant 3 : i32
    %dma_wait3A_232 = arith.constant 0 : i32
    %dma_wait3A_233 = tpu.memref_slice %arg8[%dma_wait3A_230, %dma_wait3A_231, %dma_wait3A_232] : memref<2x5x40xi32, #tpu.memory_space<vmem>> -> memref<1x1x40xi32, #tpu.memory_space<vmem>>
    %dma_wait3A_234 = tpu.memref_squeeze %dma_wait3A_233 : memref<1x1x40xi32, #tpu.memory_space<vmem>> -> memref<40xi32, #tpu.memory_space<vmem>>
    %dma_wait3A_235 = tpu.memref_slice %arg3[%add3A_229] : memref<320000xi32, #tpu.memory_space<hbm>> -> memref<40xi32, #tpu.memory_space<hbm>>
    %dma_wait3A_236 = arith.constant 0 : i32
    %dma_wait3A_237 = tpu.memref_slice %arg8[%dma_wait3A_230, %dma_wait3A_231, %dma_wait3A_236] : memref<2x5x40xi32, #tpu.memory_space<vmem>> -> memref<1x1x40xi32, #tpu.memory_space<vmem>>
    %dma_wait3A_238 = tpu.memref_squeeze %dma_wait3A_237 : memref<1x1x40xi32, #tpu.memory_space<vmem>> -> memref<40xi32, #tpu.memory_space<vmem>>
    %dma_wait3A_239 = tpu.memref_slice %arg3[%add3A_229] : memref<320000xi32, #tpu.memory_space<hbm>> -> memref<40xi32, #tpu.memory_space<hbm>>
    tpu.wait_dma2 semaphore(%arg15 : memref<!tpu.dma_semaphore, #tpu.memory_space<semaphore_mem>>) src(%dma_wait3A_239 : memref<40xi32, #tpu.memory_space<hbm>>) dst(%dma_wait3A_238 : memref<40xi32, #tpu.memory_space<vmem>>)
    %add3A_240 = arith.constant 160 : i32
    %add3A_241 = arith.addi %mul3A_42, %add3A_240 : i32
    %dma_wait3A_242 = arith.constant 0 : i32
    %dma_wait3A_243 = arith.constant 4 : i32
    %dma_wait3A_244 = arith.constant 0 : i32
    %dma_wait3A_245 = tpu.memref_slice %arg8[%dma_wait3A_242, %dma_wait3A_243, %dma_wait3A_244] : memref<2x5x40xi32, #tpu.memory_space<vmem>> -> memref<1x1x40xi32, #tpu.memory_space<vmem>>
    %dma_wait3A_246 = tpu.memref_squeeze %dma_wait3A_245 : memref<1x1x40xi32, #tpu.memory_space<vmem>> -> memref<40xi32, #tpu.memory_space<vmem>>
    %dma_wait3A_247 = tpu.memref_slice %arg3[%add3A_241] : memref<320000xi32, #tpu.memory_space<hbm>> -> memref<40xi32, #tpu.memory_space<hbm>>
    %dma_wait3A_248 = arith.constant 0 : i32
    %dma_wait3A_249 = tpu.memref_slice %arg8[%dma_wait3A_242, %dma_wait3A_243, %dma_wait3A_248] : memref<2x5x40xi32, #tpu.memory_space<vmem>> -> memref<1x1x40xi32, #tpu.memory_space<vmem>>
    %dma_wait3A_250 = tpu.memref_squeeze %dma_wait3A_249 : memref<1x1x40xi32, #tpu.memory_space<vmem>> -> memref<40xi32, #tpu.memory_space<vmem>>
    %dma_wait3A_251 = tpu.memref_slice %arg3[%add3A_241] : memref<320000xi32, #tpu.memory_space<hbm>> -> memref<40xi32, #tpu.memory_space<hbm>>
    tpu.wait_dma2 semaphore(%arg15 : memref<!tpu.dma_semaphore, #tpu.memory_space<semaphore_mem>>) src(%dma_wait3A_251 : memref<40xi32, #tpu.memory_space<hbm>>) dst(%dma_wait3A_250 : memref<40xi32, #tpu.memory_space<vmem>>)
    %dma_start3A_252 = arith.constant 0 : i32
    %dma_start3A_253 = arith.constant 0 : i32
    %dma_start3A_254 = tpu.memref_slice %arg7[%dma_start3A_252, %dma_start3A_253] : memref<2x200xi32, #tpu.memory_space<vmem>> -> memref<1x40xi32, #tpu.memory_space<vmem>>
    %dma_start3A_255 = tpu.memref_squeeze %dma_start3A_254 : memref<1x40xi32, #tpu.memory_space<vmem>> -> memref<40xi32, #tpu.memory_space<vmem>>
    %dma_start3A_256 = arith.constant 0 : i32
    %dma_start3A_257 = arith.constant 0 : i32
    %dma_start3A_258 = tpu.memref_slice %arg4[%dma_start3A_256, %dma_start3A_257] : memref<10000x256xf32, #tpu.memory_space<hbm>> -> memref<10000x256xf32, #tpu.memory_space<hbm>>
    tpu.enqueue_indirect_dma source(%dma_start3A_258 : memref<10000x256xf32, #tpu.memory_space<hbm>>) target(%arg9 : memref<40x256xf32, #tpu.memory_space<vmem>>) offsets(%dma_start3A_255 : memref<40xi32, #tpu.memory_space<vmem>>) semaphore(%arg17 : memref<!tpu.dma_semaphore, #tpu.memory_space<semaphore_mem>>)
    %dma_start3A_259 = arith.constant 0 : i32
    %dma_start3A_260 = arith.constant 0 : i32
    %dma_start3A_261 = arith.constant 0 : i32
    %dma_start3A_262 = tpu.memref_slice %arg8[%dma_start3A_259, %dma_start3A_260, %dma_start3A_261] : memref<2x5x40xi32, #tpu.memory_space<vmem>> -> memref<1x1x40xi32, #tpu.memory_space<vmem>>
    %dma_start3A_263 = tpu.memref_squeeze %dma_start3A_262 : memref<1x1x40xi32, #tpu.memory_space<vmem>> -> memref<40xi32, #tpu.memory_space<vmem>>
    %dma_start3A_264 = arith.constant 0 : i32
    %dma_start3A_265 = arith.constant 0 : i32
    %dma_start3A_266 = tpu.memref_slice %arg5[%dma_start3A_264, %dma_start3A_265] : memref<10000x128xf32, #tpu.memory_space<hbm>> -> memref<10000x128xf32, #tpu.memory_space<hbm>>
    tpu.enqueue_indirect_dma source(%dma_start3A_266 : memref<10000x128xf32, #tpu.memory_space<hbm>>) target(%arg11 : memref<40x128xf32, #tpu.memory_space<vmem>>) offsets(%dma_start3A_263 : memref<40xi32, #tpu.memory_space<vmem>>) semaphore(%arg19 : memref<!tpu.dma_semaphore, #tpu.memory_space<semaphore_mem>>)
    %scan3A_267 = arith.constant 0 : i32
    %scan3A_268 = arith.constant 0 : i32
    %scan3A_269 = arith.constant 25 : i32
    %scan3A_270 = arith.addi %scan3A_268, %scan3A_269 : i32
    %scan3A_271 = arith.constant 1 : i32
    scf.for %scan3A_281 = %scan3A_268 to %scan3A_270 step %scan3A_271  : i32 {
      %mul3A_282 = arith.constant 400 : i32
      %mul3A_283 = arith.muli %scan3A_281, %mul3A_282 : i32
      %add3A_284 = arith.addi %mul3A_42, %mul3A_283 : i32
      %dma_start3A_285 = arith.constant 0 : i32
      %dma_start3A_286 = arith.constant 40 : i32
      %dma_start3A_287 = tpu.memref_slice %arg7[%dma_start3A_285, %dma_start3A_286] : memref<2x200xi32, #tpu.memory_space<vmem>> -> memref<1x40xi32, #tpu.memory_space<vmem>>
      %dma_start3A_288 = tpu.memref_squeeze %dma_start3A_287 : memref<1x40xi32, #tpu.memory_space<vmem>> -> memref<40xi32, #tpu.memory_space<vmem>>
      %dma_start3A_289 = arith.constant 0 : i32
      %dma_start3A_290 = arith.constant 0 : i32
      %dma_start3A_291 = tpu.memref_slice %arg4[%dma_start3A_289, %dma_start3A_290] : memref<10000x256xf32, #tpu.memory_space<hbm>> -> memref<10000x256xf32, #tpu.memory_space<hbm>>
      tpu.enqueue_indirect_dma source(%dma_start3A_291 : memref<10000x256xf32, #tpu.memory_space<hbm>>) target(%arg10 : memref<40x256xf32, #tpu.memory_space<vmem>>) offsets(%dma_start3A_288 : memref<40xi32, #tpu.memory_space<vmem>>) semaphore(%arg18 : memref<!tpu.dma_semaphore, #tpu.memory_space<semaphore_mem>>)
      %dma_start3A_292 = arith.constant 0 : i32
      %dma_start3A_293 = arith.constant 1 : i32
      %dma_start3A_294 = arith.constant 0 : i32
      %dma_start3A_295 = tpu.memref_slice %arg8[%dma_start3A_292, %dma_start3A_293, %dma_start3A_294] : memref<2x5x40xi32, #tpu.memory_space<vmem>> -> memref<1x1x40xi32, #tpu.memory_space<vmem>>
      %dma_start3A_296 = tpu.memref_squeeze %dma_start3A_295 : memref<1x1x40xi32, #tpu.memory_space<vmem>> -> memref<40xi32, #tpu.memory_space<vmem>>
      %dma_start3A_297 = arith.constant 0 : i32
      %dma_start3A_298 = arith.constant 0 : i32
      %dma_start3A_299 = tpu.memref_slice %arg5[%dma_start3A_297, %dma_start3A_298] : memref<10000x128xf32, #tpu.memory_space<hbm>> -> memref<10000x128xf32, #tpu.memory_space<hbm>>
      tpu.enqueue_indirect_dma source(%dma_start3A_299 : memref<10000x128xf32, #tpu.memory_space<hbm>>) target(%arg12 : memref<40x128xf32, #tpu.memory_space<vmem>>) offsets(%dma_start3A_296 : memref<40xi32, #tpu.memory_space<vmem>>) semaphore(%arg20 : memref<!tpu.dma_semaphore, #tpu.memory_space<semaphore_mem>>)
      %dma_wait3A_300 = arith.constant 0 : i32
      %dma_wait3A_301 = arith.constant 0 : i32
      %dma_wait3A_302 = tpu.memref_slice %arg7[%dma_wait3A_300, %dma_wait3A_301] : memref<2x200xi32, #tpu.memory_space<vmem>> -> memref<1x40xi32, #tpu.memory_space<vmem>>
      %dma_wait3A_303 = tpu.memref_squeeze %dma_wait3A_302 : memref<1x40xi32, #tpu.memory_space<vmem>> -> memref<40xi32, #tpu.memory_space<vmem>>
      %dma_wait3A_304 = arith.constant 0 : i32
      %dma_wait3A_305 = arith.constant 0 : i32
      %dma_wait3A_306 = tpu.memref_slice %arg4[%dma_wait3A_304, %dma_wait3A_305] : memref<10000x256xf32, #tpu.memory_space<hbm>> -> memref<10000x256xf32, #tpu.memory_space<hbm>>
      tpu.wait_indirect_dma semaphore(%arg17 : memref<!tpu.dma_semaphore, #tpu.memory_space<semaphore_mem>>) src(%dma_wait3A_306 : memref<10000x256xf32, #tpu.memory_space<hbm>>) dst(%arg9 : memref<40x256xf32, #tpu.memory_space<vmem>>)
      %dma_wait3A_307 = arith.constant 0 : i32
      %dma_wait3A_308 = arith.constant 0 : i32
      %dma_wait3A_309 = arith.constant 0 : i32
      %dma_wait3A_310 = tpu.memref_slice %arg8[%dma_wait3A_307, %dma_wait3A_308, %dma_wait3A_309] : memref<2x5x40xi32, #tpu.memory_space<vmem>> -> memref<1x1x40xi32, #tpu.memory_space<vmem>>
      %dma_wait3A_311 = tpu.memref_squeeze %dma_wait3A_310 : memref<1x1x40xi32, #tpu.memory_space<vmem>> -> memref<40xi32, #tpu.memory_space<vmem>>
      %dma_wait3A_312 = arith.constant 0 : i32
      %dma_wait3A_313 = arith.constant 0 : i32
      %dma_wait3A_314 = tpu.memref_slice %arg5[%dma_wait3A_312, %dma_wait3A_313] : memref<10000x128xf32, #tpu.memory_space<hbm>> -> memref<10000x128xf32, #tpu.memory_space<hbm>>
      tpu.wait_indirect_dma semaphore(%arg19 : memref<!tpu.dma_semaphore, #tpu.memory_space<semaphore_mem>>) src(%dma_wait3A_314 : memref<10000x128xf32, #tpu.memory_space<hbm>>) dst(%arg11 : memref<40x128xf32, #tpu.memory_space<vmem>>)
      %dma_start3A_315 = arith.constant 0 : i32
      %dma_start3A_316 = arith.constant 80 : i32
      %dma_start3A_317 = tpu.memref_slice %arg7[%dma_start3A_315, %dma_start3A_316] : memref<2x200xi32, #tpu.memory_space<vmem>> -> memref<1x40xi32, #tpu.memory_space<vmem>>
      %dma_start3A_318 = tpu.memref_squeeze %dma_start3A_317 : memref<1x40xi32, #tpu.memory_space<vmem>> -> memref<40xi32, #tpu.memory_space<vmem>>
      %dma_start3A_319 = arith.constant 0 : i32
      %dma_start3A_320 = arith.constant 0 : i32
      %dma_start3A_321 = tpu.memref_slice %arg4[%dma_start3A_319, %dma_start3A_320] : memref<10000x256xf32, #tpu.memory_space<hbm>> -> memref<10000x256xf32, #tpu.memory_space<hbm>>
      tpu.enqueue_indirect_dma source(%dma_start3A_321 : memref<10000x256xf32, #tpu.memory_space<hbm>>) target(%arg9 : memref<40x256xf32, #tpu.memory_space<vmem>>) offsets(%dma_start3A_318 : memref<40xi32, #tpu.memory_space<vmem>>) semaphore(%arg17 : memref<!tpu.dma_semaphore, #tpu.memory_space<semaphore_mem>>)
      %dma_start3A_322 = arith.constant 0 : i32
      %dma_start3A_323 = arith.constant 2 : i32
      %dma_start3A_324 = arith.constant 0 : i32
      %dma_start3A_325 = tpu.memref_slice %arg8[%dma_start3A_322, %dma_start3A_323, %dma_start3A_324] : memref<2x5x40xi32, #tpu.memory_space<vmem>> -> memref<1x1x40xi32, #tpu.memory_space<vmem>>
      %dma_start3A_326 = tpu.memref_squeeze %dma_start3A_325 : memref<1x1x40xi32, #tpu.memory_space<vmem>> -> memref<40xi32, #tpu.memory_space<vmem>>
      %dma_start3A_327 = arith.constant 0 : i32
      %dma_start3A_328 = arith.constant 0 : i32
      %dma_start3A_329 = tpu.memref_slice %arg5[%dma_start3A_327, %dma_start3A_328] : memref<10000x128xf32, #tpu.memory_space<hbm>> -> memref<10000x128xf32, #tpu.memory_space<hbm>>
      tpu.enqueue_indirect_dma source(%dma_start3A_329 : memref<10000x128xf32, #tpu.memory_space<hbm>>) target(%arg11 : memref<40x128xf32, #tpu.memory_space<vmem>>) offsets(%dma_start3A_326 : memref<40xi32, #tpu.memory_space<vmem>>) semaphore(%arg19 : memref<!tpu.dma_semaphore, #tpu.memory_space<semaphore_mem>>)
      %dma_wait3A_330 = arith.constant 0 : i32
      %dma_wait3A_331 = arith.constant 40 : i32
      %dma_wait3A_332 = tpu.memref_slice %arg7[%dma_wait3A_330, %dma_wait3A_331] : memref<2x200xi32, #tpu.memory_space<vmem>> -> memref<1x40xi32, #tpu.memory_space<vmem>>
      %dma_wait3A_333 = tpu.memref_squeeze %dma_wait3A_332 : memref<1x40xi32, #tpu.memory_space<vmem>> -> memref<40xi32, #tpu.memory_space<vmem>>
      %dma_wait3A_334 = arith.constant 0 : i32
      %dma_wait3A_335 = arith.constant 0 : i32
      %dma_wait3A_336 = tpu.memref_slice %arg4[%dma_wait3A_334, %dma_wait3A_335] : memref<10000x256xf32, #tpu.memory_space<hbm>> -> memref<10000x256xf32, #tpu.memory_space<hbm>>
      tpu.wait_indirect_dma semaphore(%arg18 : memref<!tpu.dma_semaphore, #tpu.memory_space<semaphore_mem>>) src(%dma_wait3A_336 : memref<10000x256xf32, #tpu.memory_space<hbm>>) dst(%arg10 : memref<40x256xf32, #tpu.memory_space<vmem>>)
      %dma_wait3A_337 = arith.constant 0 : i32
      %dma_wait3A_338 = arith.constant 1 : i32
      %dma_wait3A_339 = arith.constant 0 : i32
      %dma_wait3A_340 = tpu.memref_slice %arg8[%dma_wait3A_337, %dma_wait3A_338, %dma_wait3A_339] : memref<2x5x40xi32, #tpu.memory_space<vmem>> -> memref<1x1x40xi32, #tpu.memory_space<vmem>>
      %dma_wait3A_341 = tpu.memref_squeeze %dma_wait3A_340 : memref<1x1x40xi32, #tpu.memory_space<vmem>> -> memref<40xi32, #tpu.memory_space<vmem>>
      %dma_wait3A_342 = arith.constant 0 : i32
      %dma_wait3A_343 = arith.constant 0 : i32
      %dma_wait3A_344 = tpu.memref_slice %arg5[%dma_wait3A_342, %dma_wait3A_343] : memref<10000x128xf32, #tpu.memory_space<hbm>> -> memref<10000x128xf32, #tpu.memory_space<hbm>>
      tpu.wait_indirect_dma semaphore(%arg20 : memref<!tpu.dma_semaphore, #tpu.memory_space<semaphore_mem>>) src(%dma_wait3A_344 : memref<10000x128xf32, #tpu.memory_space<hbm>>) dst(%arg12 : memref<40x128xf32, #tpu.memory_space<vmem>>)
      %dma_start3A_345 = arith.constant 0 : i32
      %dma_start3A_346 = arith.constant 120 : i32
      %dma_start3A_347 = tpu.memref_slice %arg7[%dma_start3A_345, %dma_start3A_346] : memref<2x200xi32, #tpu.memory_space<vmem>> -> memref<1x40xi32, #tpu.memory_space<vmem>>
      %dma_start3A_348 = tpu.memref_squeeze %dma_start3A_347 : memref<1x40xi32, #tpu.memory_space<vmem>> -> memref<40xi32, #tpu.memory_space<vmem>>
      %dma_start3A_349 = arith.constant 0 : i32
      %dma_start3A_350 = arith.constant 0 : i32
      %dma_start3A_351 = tpu.memref_slice %arg4[%dma_start3A_349, %dma_start3A_350] : memref<10000x256xf32, #tpu.memory_space<hbm>> -> memref<10000x256xf32, #tpu.memory_space<hbm>>
      tpu.enqueue_indirect_dma source(%dma_start3A_351 : memref<10000x256xf32, #tpu.memory_space<hbm>>) target(%arg10 : memref<40x256xf32, #tpu.memory_space<vmem>>) offsets(%dma_start3A_348 : memref<40xi32, #tpu.memory_space<vmem>>) semaphore(%arg18 : memref<!tpu.dma_semaphore, #tpu.memory_space<semaphore_mem>>)
      %dma_start3A_352 = arith.constant 0 : i32
      %dma_start3A_353 = arith.constant 3 : i32
      %dma_start3A_354 = arith.constant 0 : i32
      %dma_start3A_355 = tpu.memref_slice %arg8[%dma_start3A_352, %dma_start3A_353, %dma_start3A_354] : memref<2x5x40xi32, #tpu.memory_space<vmem>> -> memref<1x1x40xi32, #tpu.memory_space<vmem>>
      %dma_start3A_356 = tpu.memref_squeeze %dma_start3A_355 : memref<1x1x40xi32, #tpu.memory_space<vmem>> -> memref<40xi32, #tpu.memory_space<vmem>>
      %dma_start3A_357 = arith.constant 0 : i32
      %dma_start3A_358 = arith.constant 0 : i32
      %dma_start3A_359 = tpu.memref_slice %arg5[%dma_start3A_357, %dma_start3A_358] : memref<10000x128xf32, #tpu.memory_space<hbm>> -> memref<10000x128xf32, #tpu.memory_space<hbm>>
      tpu.enqueue_indirect_dma source(%dma_start3A_359 : memref<10000x128xf32, #tpu.memory_space<hbm>>) target(%arg12 : memref<40x128xf32, #tpu.memory_space<vmem>>) offsets(%dma_start3A_356 : memref<40xi32, #tpu.memory_space<vmem>>) semaphore(%arg20 : memref<!tpu.dma_semaphore, #tpu.memory_space<semaphore_mem>>)
      %dma_wait3A_360 = arith.constant 0 : i32
      %dma_wait3A_361 = arith.constant 80 : i32
      %dma_wait3A_362 = tpu.memref_slice %arg7[%dma_wait3A_360, %dma_wait3A_361] : memref<2x200xi32, #tpu.memory_space<vmem>> -> memref<1x40xi32, #tpu.memory_space<vmem>>
      %dma_wait3A_363 = tpu.memref_squeeze %dma_wait3A_362 : memref<1x40xi32, #tpu.memory_space<vmem>> -> memref<40xi32, #tpu.memory_space<vmem>>
      %dma_wait3A_364 = arith.constant 0 : i32
      %dma_wait3A_365 = arith.constant 0 : i32
      %dma_wait3A_366 = tpu.memref_slice %arg4[%dma_wait3A_364, %dma_wait3A_365] : memref<10000x256xf32, #tpu.memory_space<hbm>> -> memref<10000x256xf32, #tpu.memory_space<hbm>>
      tpu.wait_indirect_dma semaphore(%arg17 : memref<!tpu.dma_semaphore, #tpu.memory_space<semaphore_mem>>) src(%dma_wait3A_366 : memref<10000x256xf32, #tpu.memory_space<hbm>>) dst(%arg9 : memref<40x256xf32, #tpu.memory_space<vmem>>)
      %dma_wait3A_367 = arith.constant 0 : i32
      %dma_wait3A_368 = arith.constant 2 : i32
      %dma_wait3A_369 = arith.constant 0 : i32
      %dma_wait3A_370 = tpu.memref_slice %arg8[%dma_wait3A_367, %dma_wait3A_368, %dma_wait3A_369] : memref<2x5x40xi32, #tpu.memory_space<vmem>> -> memref<1x1x40xi32, #tpu.memory_space<vmem>>
      %dma_wait3A_371 = tpu.memref_squeeze %dma_wait3A_370 : memref<1x1x40xi32, #tpu.memory_space<vmem>> -> memref<40xi32, #tpu.memory_space<vmem>>
      %dma_wait3A_372 = arith.constant 0 : i32
      %dma_wait3A_373 = arith.constant 0 : i32
      %dma_wait3A_374 = tpu.memref_slice %arg5[%dma_wait3A_372, %dma_wait3A_373] : memref<10000x128xf32, #tpu.memory_space<hbm>> -> memref<10000x128xf32, #tpu.memory_space<hbm>>
      tpu.wait_indirect_dma semaphore(%arg19 : memref<!tpu.dma_semaphore, #tpu.memory_space<semaphore_mem>>) src(%dma_wait3A_374 : memref<10000x128xf32, #tpu.memory_space<hbm>>) dst(%arg11 : memref<40x128xf32, #tpu.memory_space<vmem>>)
      %dma_start3A_375 = arith.constant 0 : i32
      %dma_start3A_376 = arith.constant 160 : i32
      %dma_start3A_377 = tpu.memref_slice %arg7[%dma_start3A_375, %dma_start3A_376] : memref<2x200xi32, #tpu.memory_space<vmem>> -> memref<1x40xi32, #tpu.memory_space<vmem>>
      %dma_start3A_378 = tpu.memref_squeeze %dma_start3A_377 : memref<1x40xi32, #tpu.memory_space<vmem>> -> memref<40xi32, #tpu.memory_space<vmem>>
      %dma_start3A_379 = arith.constant 0 : i32
      %dma_start3A_380 = arith.constant 0 : i32
      %dma_start3A_381 = tpu.memref_slice %arg4[%dma_start3A_379, %dma_start3A_380] : memref<10000x256xf32, #tpu.memory_space<hbm>> -> memref<10000x256xf32, #tpu.memory_space<hbm>>
      tpu.enqueue_indirect_dma source(%dma_start3A_381 : memref<10000x256xf32, #tpu.memory_space<hbm>>) target(%arg9 : memref<40x256xf32, #tpu.memory_space<vmem>>) offsets(%dma_start3A_378 : memref<40xi32, #tpu.memory_space<vmem>>) semaphore(%arg17 : memref<!tpu.dma_semaphore, #tpu.memory_space<semaphore_mem>>)
      %dma_start3A_382 = arith.constant 0 : i32
      %dma_start3A_383 = arith.constant 4 : i32
      %dma_start3A_384 = arith.constant 0 : i32
      %dma_start3A_385 = tpu.memref_slice %arg8[%dma_start3A_382, %dma_start3A_383, %dma_start3A_384] : memref<2x5x40xi32, #tpu.memory_space<vmem>> -> memref<1x1x40xi32, #tpu.memory_space<vmem>>
      %dma_start3A_386 = tpu.memref_squeeze %dma_start3A_385 : memref<1x1x40xi32, #tpu.memory_space<vmem>> -> memref<40xi32, #tpu.memory_space<vmem>>
      %dma_start3A_387 = arith.constant 0 : i32
      %dma_start3A_388 = arith.constant 0 : i32
      %dma_start3A_389 = tpu.memref_slice %arg5[%dma_start3A_387, %dma_start3A_388] : memref<10000x128xf32, #tpu.memory_space<hbm>> -> memref<10000x128xf32, #tpu.memory_space<hbm>>
      tpu.enqueue_indirect_dma source(%dma_start3A_389 : memref<10000x128xf32, #tpu.memory_space<hbm>>) target(%arg11 : memref<40x128xf32, #tpu.memory_space<vmem>>) offsets(%dma_start3A_386 : memref<40xi32, #tpu.memory_space<vmem>>) semaphore(%arg19 : memref<!tpu.dma_semaphore, #tpu.memory_space<semaphore_mem>>)
      %dma_wait3A_390 = arith.constant 0 : i32
      %dma_wait3A_391 = arith.constant 120 : i32
      %dma_wait3A_392 = tpu.memref_slice %arg7[%dma_wait3A_390, %dma_wait3A_391] : memref<2x200xi32, #tpu.memory_space<vmem>> -> memref<1x40xi32, #tpu.memory_space<vmem>>
      %dma_wait3A_393 = tpu.memref_squeeze %dma_wait3A_392 : memref<1x40xi32, #tpu.memory_space<vmem>> -> memref<40xi32, #tpu.memory_space<vmem>>
      %dma_wait3A_394 = arith.constant 0 : i32
      %dma_wait3A_395 = arith.constant 0 : i32
      %dma_wait3A_396 = tpu.memref_slice %arg4[%dma_wait3A_394, %dma_wait3A_395] : memref<10000x256xf32, #tpu.memory_space<hbm>> -> memref<10000x256xf32, #tpu.memory_space<hbm>>
      tpu.wait_indirect_dma semaphore(%arg18 : memref<!tpu.dma_semaphore, #tpu.memory_space<semaphore_mem>>) src(%dma_wait3A_396 : memref<10000x256xf32, #tpu.memory_space<hbm>>) dst(%arg10 : memref<40x256xf32, #tpu.memory_space<vmem>>)
      %dma_wait3A_397 = arith.constant 0 : i32
      %dma_wait3A_398 = arith.constant 3 : i32
      %dma_wait3A_399 = arith.constant 0 : i32
      %dma_wait3A_400 = tpu.memref_slice %arg8[%dma_wait3A_397, %dma_wait3A_398, %dma_wait3A_399] : memref<2x5x40xi32, #tpu.memory_space<vmem>> -> memref<1x1x40xi32, #tpu.memory_space<vmem>>
      %dma_wait3A_401 = tpu.memref_squeeze %dma_wait3A_400 : memref<1x1x40xi32, #tpu.memory_space<vmem>> -> memref<40xi32, #tpu.memory_space<vmem>>
      %dma_wait3A_402 = arith.constant 0 : i32
      %dma_wait3A_403 = arith.constant 0 : i32
      %dma_wait3A_404 = tpu.memref_slice %arg5[%dma_wait3A_402, %dma_wait3A_403] : memref<10000x128xf32, #tpu.memory_space<hbm>> -> memref<10000x128xf32, #tpu.memory_space<hbm>>
      tpu.wait_indirect_dma semaphore(%arg20 : memref<!tpu.dma_semaphore, #tpu.memory_space<semaphore_mem>>) src(%dma_wait3A_404 : memref<10000x128xf32, #tpu.memory_space<hbm>>) dst(%arg12 : memref<40x128xf32, #tpu.memory_space<vmem>>)
      %add3A_405 = arith.constant 200 : i32
      %add3A_406 = arith.addi %add3A_284, %add3A_405 : i32
      %dma_wait3A_407 = arith.constant 1 : i32
      %dma_wait3A_408 = arith.constant 0 : i32
      %dma_wait3A_409 = tpu.memref_slice %arg7[%dma_wait3A_407, %dma_wait3A_408] : memref<2x200xi32, #tpu.memory_space<vmem>> -> memref<1x200xi32, #tpu.memory_space<vmem>>
      %dma_wait3A_410 = tpu.memref_squeeze %dma_wait3A_409 : memref<1x200xi32, #tpu.memory_space<vmem>> -> memref<200xi32, #tpu.memory_space<vmem>>
      %dma_wait3A_411 = tpu.memref_slice %arg2[%add3A_406] : memref<320000xi32, #tpu.memory_space<hbm>> -> memref<200xi32, #tpu.memory_space<hbm>>
      %dma_wait3A_412 = arith.constant 0 : i32
      %dma_wait3A_413 = tpu.memref_slice %arg7[%dma_wait3A_407, %dma_wait3A_412] : memref<2x200xi32, #tpu.memory_space<vmem>> -> memref<1x200xi32, #tpu.memory_space<vmem>>
      %dma_wait3A_414 = tpu.memref_squeeze %dma_wait3A_413 : memref<1x200xi32, #tpu.memory_space<vmem>> -> memref<200xi32, #tpu.memory_space<vmem>>
      %dma_wait3A_415 = tpu.memref_slice %arg2[%add3A_406] : memref<320000xi32, #tpu.memory_space<hbm>> -> memref<200xi32, #tpu.memory_space<hbm>>
      tpu.wait_dma2 semaphore(%arg16 : memref<!tpu.dma_semaphore, #tpu.memory_space<semaphore_mem>>) src(%dma_wait3A_415 : memref<200xi32, #tpu.memory_space<hbm>>) dst(%dma_wait3A_414 : memref<200xi32, #tpu.memory_space<vmem>>)
      %add3A_416 = arith.constant 0 : i32
      %add3A_417 = arith.addi %add3A_406, %add3A_416 : i32
      %dma_wait3A_418 = arith.constant 1 : i32
      %dma_wait3A_419 = arith.constant 0 : i32
      %dma_wait3A_420 = arith.constant 0 : i32
      %dma_wait3A_421 = tpu.memref_slice %arg8[%dma_wait3A_418, %dma_wait3A_419, %dma_wait3A_420] : memref<2x5x40xi32, #tpu.memory_space<vmem>> -> memref<1x1x40xi32, #tpu.memory_space<vmem>>
      %dma_wait3A_422 = tpu.memref_squeeze %dma_wait3A_421 : memref<1x1x40xi32, #tpu.memory_space<vmem>> -> memref<40xi32, #tpu.memory_space<vmem>>
      %dma_wait3A_423 = tpu.memref_slice %arg3[%add3A_417] : memref<320000xi32, #tpu.memory_space<hbm>> -> memref<40xi32, #tpu.memory_space<hbm>>
      %dma_wait3A_424 = arith.constant 0 : i32
      %dma_wait3A_425 = tpu.memref_slice %arg8[%dma_wait3A_418, %dma_wait3A_419, %dma_wait3A_424] : memref<2x5x40xi32, #tpu.memory_space<vmem>> -> memref<1x1x40xi32, #tpu.memory_space<vmem>>
      %dma_wait3A_426 = tpu.memref_squeeze %dma_wait3A_425 : memref<1x1x40xi32, #tpu.memory_space<vmem>> -> memref<40xi32, #tpu.memory_space<vmem>>
      %dma_wait3A_427 = tpu.memref_slice %arg3[%add3A_417] : memref<320000xi32, #tpu.memory_space<hbm>> -> memref<40xi32, #tpu.memory_space<hbm>>
      tpu.wait_dma2 semaphore(%arg16 : memref<!tpu.dma_semaphore, #tpu.memory_space<semaphore_mem>>) src(%dma_wait3A_427 : memref<40xi32, #tpu.memory_space<hbm>>) dst(%dma_wait3A_426 : memref<40xi32, #tpu.memory_space<vmem>>)
      %add3A_428 = arith.constant 40 : i32
      %add3A_429 = arith.addi %add3A_406, %add3A_428 : i32
      %dma_wait3A_430 = arith.constant 1 : i32
      %dma_wait3A_431 = arith.constant 1 : i32
      %dma_wait3A_432 = arith.constant 0 : i32
      %dma_wait3A_433 = tpu.memref_slice %arg8[%dma_wait3A_430, %dma_wait3A_431, %dma_wait3A_432] : memref<2x5x40xi32, #tpu.memory_space<vmem>> -> memref<1x1x40xi32, #tpu.memory_space<vmem>>
      %dma_wait3A_434 = tpu.memref_squeeze %dma_wait3A_433 : memref<1x1x40xi32, #tpu.memory_space<vmem>> -> memref<40xi32, #tpu.memory_space<vmem>>
      %dma_wait3A_435 = tpu.memref_slice %arg3[%add3A_429] : memref<320000xi32, #tpu.memory_space<hbm>> -> memref<40xi32, #tpu.memory_space<hbm>>
      %dma_wait3A_436 = arith.constant 0 : i32
      %dma_wait3A_437 = tpu.memref_slice %arg8[%dma_wait3A_430, %dma_wait3A_431, %dma_wait3A_436] : memref<2x5x40xi32, #tpu.memory_space<vmem>> -> memref<1x1x40xi32, #tpu.memory_space<vmem>>
      %dma_wait3A_438 = tpu.memref_squeeze %dma_wait3A_437 : memref<1x1x40xi32, #tpu.memory_space<vmem>> -> memref<40xi32, #tpu.memory_space<vmem>>
      %dma_wait3A_439 = tpu.memref_slice %arg3[%add3A_429] : memref<320000xi32, #tpu.memory_space<hbm>> -> memref<40xi32, #tpu.memory_space<hbm>>
      tpu.wait_dma2 semaphore(%arg16 : memref<!tpu.dma_semaphore, #tpu.memory_space<semaphore_mem>>) src(%dma_wait3A_439 : memref<40xi32, #tpu.memory_space<hbm>>) dst(%dma_wait3A_438 : memref<40xi32, #tpu.memory_space<vmem>>)
      %add3A_440 = arith.constant 80 : i32
      %add3A_441 = arith.addi %add3A_406, %add3A_440 : i32
      %dma_wait3A_442 = arith.constant 1 : i32
      %dma_wait3A_443 = arith.constant 2 : i32
      %dma_wait3A_444 = arith.constant 0 : i32
      %dma_wait3A_445 = tpu.memref_slice %arg8[%dma_wait3A_442, %dma_wait3A_443, %dma_wait3A_444] : memref<2x5x40xi32, #tpu.memory_space<vmem>> -> memref<1x1x40xi32, #tpu.memory_space<vmem>>
      %dma_wait3A_446 = tpu.memref_squeeze %dma_wait3A_445 : memref<1x1x40xi32, #tpu.memory_space<vmem>> -> memref<40xi32, #tpu.memory_space<vmem>>
      %dma_wait3A_447 = tpu.memref_slice %arg3[%add3A_441] : memref<320000xi32, #tpu.memory_space<hbm>> -> memref<40xi32, #tpu.memory_space<hbm>>
      %dma_wait3A_448 = arith.constant 0 : i32
      %dma_wait3A_449 = tpu.memref_slice %arg8[%dma_wait3A_442, %dma_wait3A_443, %dma_wait3A_448] : memref<2x5x40xi32, #tpu.memory_space<vmem>> -> memref<1x1x40xi32, #tpu.memory_space<vmem>>
      %dma_wait3A_450 = tpu.memref_squeeze %dma_wait3A_449 : memref<1x1x40xi32, #tpu.memory_space<vmem>> -> memref<40xi32, #tpu.memory_space<vmem>>
      %dma_wait3A_451 = tpu.memref_slice %arg3[%add3A_441] : memref<320000xi32, #tpu.memory_space<hbm>> -> memref<40xi32, #tpu.memory_space<hbm>>
      tpu.wait_dma2 semaphore(%arg16 : memref<!tpu.dma_semaphore, #tpu.memory_space<semaphore_mem>>) src(%dma_wait3A_451 : memref<40xi32, #tpu.memory_space<hbm>>) dst(%dma_wait3A_450 : memref<40xi32, #tpu.memory_space<vmem>>)
      %add3A_452 = arith.constant 120 : i32
      %add3A_453 = arith.addi %add3A_406, %add3A_452 : i32
      %dma_wait3A_454 = arith.constant 1 : i32
      %dma_wait3A_455 = arith.constant 3 : i32
      %dma_wait3A_456 = arith.constant 0 : i32
      %dma_wait3A_457 = tpu.memref_slice %arg8[%dma_wait3A_454, %dma_wait3A_455, %dma_wait3A_456] : memref<2x5x40xi32, #tpu.memory_space<vmem>> -> memref<1x1x40xi32, #tpu.memory_space<vmem>>
      %dma_wait3A_458 = tpu.memref_squeeze %dma_wait3A_457 : memref<1x1x40xi32, #tpu.memory_space<vmem>> -> memref<40xi32, #tpu.memory_space<vmem>>
      %dma_wait3A_459 = tpu.memref_slice %arg3[%add3A_453] : memref<320000xi32, #tpu.memory_space<hbm>> -> memref<40xi32, #tpu.memory_space<hbm>>
      %dma_wait3A_460 = arith.constant 0 : i32
      %dma_wait3A_461 = tpu.memref_slice %arg8[%dma_wait3A_454, %dma_wait3A_455, %dma_wait3A_460] : memref<2x5x40xi32, #tpu.memory_space<vmem>> -> memref<1x1x40xi32, #tpu.memory_space<vmem>>
      %dma_wait3A_462 = tpu.memref_squeeze %dma_wait3A_461 : memref<1x1x40xi32, #tpu.memory_space<vmem>> -> memref<40xi32, #tpu.memory_space<vmem>>
      %dma_wait3A_463 = tpu.memref_slice %arg3[%add3A_453] : memref<320000xi32, #tpu.memory_space<hbm>> -> memref<40xi32, #tpu.memory_space<hbm>>
      tpu.wait_dma2 semaphore(%arg16 : memref<!tpu.dma_semaphore, #tpu.memory_space<semaphore_mem>>) src(%dma_wait3A_463 : memref<40xi32, #tpu.memory_space<hbm>>) dst(%dma_wait3A_462 : memref<40xi32, #tpu.memory_space<vmem>>)
      %add3A_464 = arith.constant 160 : i32
      %add3A_465 = arith.addi %add3A_406, %add3A_464 : i32
      %dma_wait3A_466 = arith.constant 1 : i32
      %dma_wait3A_467 = arith.constant 4 : i32
      %dma_wait3A_468 = arith.constant 0 : i32
      %dma_wait3A_469 = tpu.memref_slice %arg8[%dma_wait3A_466, %dma_wait3A_467, %dma_wait3A_468] : memref<2x5x40xi32, #tpu.memory_space<vmem>> -> memref<1x1x40xi32, #tpu.memory_space<vmem>>
      %dma_wait3A_470 = tpu.memref_squeeze %dma_wait3A_469 : memref<1x1x40xi32, #tpu.memory_space<vmem>> -> memref<40xi32, #tpu.memory_space<vmem>>
      %dma_wait3A_471 = tpu.memref_slice %arg3[%add3A_465] : memref<320000xi32, #tpu.memory_space<hbm>> -> memref<40xi32, #tpu.memory_space<hbm>>
      %dma_wait3A_472 = arith.constant 0 : i32
      %dma_wait3A_473 = tpu.memref_slice %arg8[%dma_wait3A_466, %dma_wait3A_467, %dma_wait3A_472] : memref<2x5x40xi32, #tpu.memory_space<vmem>> -> memref<1x1x40xi32, #tpu.memory_space<vmem>>
      %dma_wait3A_474 = tpu.memref_squeeze %dma_wait3A_473 : memref<1x1x40xi32, #tpu.memory_space<vmem>> -> memref<40xi32, #tpu.memory_space<vmem>>
      %dma_wait3A_475 = tpu.memref_slice %arg3[%add3A_465] : memref<320000xi32, #tpu.memory_space<hbm>> -> memref<40xi32, #tpu.memory_space<hbm>>
      tpu.wait_dma2 semaphore(%arg16 : memref<!tpu.dma_semaphore, #tpu.memory_space<semaphore_mem>>) src(%dma_wait3A_475 : memref<40xi32, #tpu.memory_space<hbm>>) dst(%dma_wait3A_474 : memref<40xi32, #tpu.memory_space<vmem>>)
      %dma_start3A_476 = arith.constant 1 : i32
      %dma_start3A_477 = arith.constant 0 : i32
      %dma_start3A_478 = tpu.memref_slice %arg7[%dma_start3A_476, %dma_start3A_477] : memref<2x200xi32, #tpu.memory_space<vmem>> -> memref<1x40xi32, #tpu.memory_space<vmem>>
      %dma_start3A_479 = tpu.memref_squeeze %dma_start3A_478 : memref<1x40xi32, #tpu.memory_space<vmem>> -> memref<40xi32, #tpu.memory_space<vmem>>
      %dma_start3A_480 = arith.constant 0 : i32
      %dma_start3A_481 = arith.constant 0 : i32
      %dma_start3A_482 = tpu.memref_slice %arg4[%dma_start3A_480, %dma_start3A_481] : memref<10000x256xf32, #tpu.memory_space<hbm>> -> memref<10000x256xf32, #tpu.memory_space<hbm>>
      tpu.enqueue_indirect_dma source(%dma_start3A_482 : memref<10000x256xf32, #tpu.memory_space<hbm>>) target(%arg10 : memref<40x256xf32, #tpu.memory_space<vmem>>) offsets(%dma_start3A_479 : memref<40xi32, #tpu.memory_space<vmem>>) semaphore(%arg18 : memref<!tpu.dma_semaphore, #tpu.memory_space<semaphore_mem>>)
      %dma_start3A_483 = arith.constant 1 : i32
      %dma_start3A_484 = arith.constant 0 : i32
      %dma_start3A_485 = arith.constant 0 : i32
      %dma_start3A_486 = tpu.memref_slice %arg8[%dma_start3A_483, %dma_start3A_484, %dma_start3A_485] : memref<2x5x40xi32, #tpu.memory_space<vmem>> -> memref<1x1x40xi32, #tpu.memory_space<vmem>>
      %dma_start3A_487 = tpu.memref_squeeze %dma_start3A_486 : memref<1x1x40xi32, #tpu.memory_space<vmem>> -> memref<40xi32, #tpu.memory_space<vmem>>
      %dma_start3A_488 = arith.constant 0 : i32
      %dma_start3A_489 = arith.constant 0 : i32
      %dma_start3A_490 = tpu.memref_slice %arg5[%dma_start3A_488, %dma_start3A_489] : memref<10000x128xf32, #tpu.memory_space<hbm>> -> memref<10000x128xf32, #tpu.memory_space<hbm>>
      tpu.enqueue_indirect_dma source(%dma_start3A_490 : memref<10000x128xf32, #tpu.memory_space<hbm>>) target(%arg12 : memref<40x128xf32, #tpu.memory_space<vmem>>) offsets(%dma_start3A_487 : memref<40xi32, #tpu.memory_space<vmem>>) semaphore(%arg20 : memref<!tpu.dma_semaphore, #tpu.memory_space<semaphore_mem>>)
      %dma_wait3A_491 = arith.constant 0 : i32
      %dma_wait3A_492 = arith.constant 160 : i32
      %dma_wait3A_493 = tpu.memref_slice %arg7[%dma_wait3A_491, %dma_wait3A_492] : memref<2x200xi32, #tpu.memory_space<vmem>> -> memref<1x40xi32, #tpu.memory_space<vmem>>
      %dma_wait3A_494 = tpu.memref_squeeze %dma_wait3A_493 : memref<1x40xi32, #tpu.memory_space<vmem>> -> memref<40xi32, #tpu.memory_space<vmem>>
      %dma_wait3A_495 = arith.constant 0 : i32
      %dma_wait3A_496 = arith.constant 0 : i32
      %dma_wait3A_497 = tpu.memref_slice %arg4[%dma_wait3A_495, %dma_wait3A_496] : memref<10000x256xf32, #tpu.memory_space<hbm>> -> memref<10000x256xf32, #tpu.memory_space<hbm>>
      tpu.wait_indirect_dma semaphore(%arg17 : memref<!tpu.dma_semaphore, #tpu.memory_space<semaphore_mem>>) src(%dma_wait3A_497 : memref<10000x256xf32, #tpu.memory_space<hbm>>) dst(%arg9 : memref<40x256xf32, #tpu.memory_space<vmem>>)
      %dma_wait3A_498 = arith.constant 0 : i32
      %dma_wait3A_499 = arith.constant 4 : i32
      %dma_wait3A_500 = arith.constant 0 : i32
      %dma_wait3A_501 = tpu.memref_slice %arg8[%dma_wait3A_498, %dma_wait3A_499, %dma_wait3A_500] : memref<2x5x40xi32, #tpu.memory_space<vmem>> -> memref<1x1x40xi32, #tpu.memory_space<vmem>>
      %dma_wait3A_502 = tpu.memref_squeeze %dma_wait3A_501 : memref<1x1x40xi32, #tpu.memory_space<vmem>> -> memref<40xi32, #tpu.memory_space<vmem>>
      %dma_wait3A_503 = arith.constant 0 : i32
      %dma_wait3A_504 = arith.constant 0 : i32
      %dma_wait3A_505 = tpu.memref_slice %arg5[%dma_wait3A_503, %dma_wait3A_504] : memref<10000x128xf32, #tpu.memory_space<hbm>> -> memref<10000x128xf32, #tpu.memory_space<hbm>>
      tpu.wait_indirect_dma semaphore(%arg19 : memref<!tpu.dma_semaphore, #tpu.memory_space<semaphore_mem>>) src(%dma_wait3A_505 : memref<10000x128xf32, #tpu.memory_space<hbm>>) dst(%arg11 : memref<40x128xf32, #tpu.memory_space<vmem>>)
      %lt3A = arith.constant 24 : i32
      %lt3A_506 = arith.cmpi slt, %scan3A_281, %lt3A : i32
      %convert_element_type3A = arith.extui %lt3A_506 : i1 to i32
      %cond3A = arith.constant 0 : i32
      %cond3A_507 = arith.cmpi ne, %convert_element_type3A, %cond3A : i32
      scf.if %cond3A_507 {
        %add3A_653 = arith.constant 400 : i32
        %add3A_654 = arith.addi %add3A_284, %add3A_653 : i32
        %dma_start3A_655 = arith.constant 0 : i32
        %dma_start3A_656 = arith.constant 0 : i32
        %dma_start3A_657 = tpu.memref_slice %arg7[%dma_start3A_655, %dma_start3A_656] : memref<2x200xi32, #tpu.memory_space<vmem>> -> memref<1x200xi32, #tpu.memory_space<vmem>>
        %dma_start3A_658 = tpu.memref_squeeze %dma_start3A_657 : memref<1x200xi32, #tpu.memory_space<vmem>> -> memref<200xi32, #tpu.memory_space<vmem>>
        %dma_start3A_659 = tpu.memref_slice %arg2[%add3A_654] : memref<320000xi32, #tpu.memory_space<hbm>> -> memref<200xi32, #tpu.memory_space<hbm>>
        %dma_start3A_660 = arith.constant 0 : i32
        %dma_start3A_661 = tpu.memref_slice %arg7[%dma_start3A_655, %dma_start3A_660] : memref<2x200xi32, #tpu.memory_space<vmem>> -> memref<1x200xi32, #tpu.memory_space<vmem>>
        %dma_start3A_662 = tpu.memref_squeeze %dma_start3A_661 : memref<1x200xi32, #tpu.memory_space<vmem>> -> memref<200xi32, #tpu.memory_space<vmem>>
        %dma_start3A_663 = tpu.memref_slice %arg2[%add3A_654] : memref<320000xi32, #tpu.memory_space<hbm>> -> memref<200xi32, #tpu.memory_space<hbm>>
        tpu.enqueue_dma source(%dma_start3A_663 : memref<200xi32, #tpu.memory_space<hbm>>) target(%dma_start3A_662 : memref<200xi32, #tpu.memory_space<vmem>>) target_semaphore(%arg15 : memref<!tpu.dma_semaphore, #tpu.memory_space<semaphore_mem>>)
        %add3A_664 = arith.constant 0 : i32
        %add3A_665 = arith.addi %add3A_654, %add3A_664 : i32
        %dma_start3A_666 = arith.constant 0 : i32
        %dma_start3A_667 = arith.constant 0 : i32
        %dma_start3A_668 = arith.constant 0 : i32
        %dma_start3A_669 = tpu.memref_slice %arg8[%dma_start3A_666, %dma_start3A_667, %dma_start3A_668] : memref<2x5x40xi32, #tpu.memory_space<vmem>> -> memref<1x1x40xi32, #tpu.memory_space<vmem>>
        %dma_start3A_670 = tpu.memref_squeeze %dma_start3A_669 : memref<1x1x40xi32, #tpu.memory_space<vmem>> -> memref<40xi32, #tpu.memory_space<vmem>>
        %dma_start3A_671 = tpu.memref_slice %arg3[%add3A_665] : memref<320000xi32, #tpu.memory_space<hbm>> -> memref<40xi32, #tpu.memory_space<hbm>>
        %dma_start3A_672 = arith.constant 0 : i32
        %dma_start3A_673 = tpu.memref_slice %arg8[%dma_start3A_666, %dma_start3A_667, %dma_start3A_672] : memref<2x5x40xi32, #tpu.memory_space<vmem>> -> memref<1x1x40xi32, #tpu.memory_space<vmem>>
        %dma_start3A_674 = tpu.memref_squeeze %dma_start3A_673 : memref<1x1x40xi32, #tpu.memory_space<vmem>> -> memref<40xi32, #tpu.memory_space<vmem>>
        %dma_start3A_675 = tpu.memref_slice %arg3[%add3A_665] : memref<320000xi32, #tpu.memory_space<hbm>> -> memref<40xi32, #tpu.memory_space<hbm>>
        tpu.enqueue_dma source(%dma_start3A_675 : memref<40xi32, #tpu.memory_space<hbm>>) target(%dma_start3A_674 : memref<40xi32, #tpu.memory_space<vmem>>) target_semaphore(%arg15 : memref<!tpu.dma_semaphore, #tpu.memory_space<semaphore_mem>>)
        %add3A_676 = arith.constant 40 : i32
        %add3A_677 = arith.addi %add3A_654, %add3A_676 : i32
        %dma_start3A_678 = arith.constant 0 : i32
        %dma_start3A_679 = arith.constant 1 : i32
        %dma_start3A_680 = arith.constant 0 : i32
        %dma_start3A_681 = tpu.memref_slice %arg8[%dma_start3A_678, %dma_start3A_679, %dma_start3A_680] : memref<2x5x40xi32, #tpu.memory_space<vmem>> -> memref<1x1x40xi32, #tpu.memory_space<vmem>>
        %dma_start3A_682 = tpu.memref_squeeze %dma_start3A_681 : memref<1x1x40xi32, #tpu.memory_space<vmem>> -> memref<40xi32, #tpu.memory_space<vmem>>
        %dma_start3A_683 = tpu.memref_slice %arg3[%add3A_677] : memref<320000xi32, #tpu.memory_space<hbm>> -> memref<40xi32, #tpu.memory_space<hbm>>
        %dma_start3A_684 = arith.constant 0 : i32
        %dma_start3A_685 = tpu.memref_slice %arg8[%dma_start3A_678, %dma_start3A_679, %dma_start3A_684] : memref<2x5x40xi32, #tpu.memory_space<vmem>> -> memref<1x1x40xi32, #tpu.memory_space<vmem>>
        %dma_start3A_686 = tpu.memref_squeeze %dma_start3A_685 : memref<1x1x40xi32, #tpu.memory_space<vmem>> -> memref<40xi32, #tpu.memory_space<vmem>>
        %dma_start3A_687 = tpu.memref_slice %arg3[%add3A_677] : memref<320000xi32, #tpu.memory_space<hbm>> -> memref<40xi32, #tpu.memory_space<hbm>>
        tpu.enqueue_dma source(%dma_start3A_687 : memref<40xi32, #tpu.memory_space<hbm>>) target(%dma_start3A_686 : memref<40xi32, #tpu.memory_space<vmem>>) target_semaphore(%arg15 : memref<!tpu.dma_semaphore, #tpu.memory_space<semaphore_mem>>)
        %add3A_688 = arith.constant 80 : i32
        %add3A_689 = arith.addi %add3A_654, %add3A_688 : i32
        %dma_start3A_690 = arith.constant 0 : i32
        %dma_start3A_691 = arith.constant 2 : i32
        %dma_start3A_692 = arith.constant 0 : i32
        %dma_start3A_693 = tpu.memref_slice %arg8[%dma_start3A_690, %dma_start3A_691, %dma_start3A_692] : memref<2x5x40xi32, #tpu.memory_space<vmem>> -> memref<1x1x40xi32, #tpu.memory_space<vmem>>
        %dma_start3A_694 = tpu.memref_squeeze %dma_start3A_693 : memref<1x1x40xi32, #tpu.memory_space<vmem>> -> memref<40xi32, #tpu.memory_space<vmem>>
        %dma_start3A_695 = tpu.memref_slice %arg3[%add3A_689] : memref<320000xi32, #tpu.memory_space<hbm>> -> memref<40xi32, #tpu.memory_space<hbm>>
        %dma_start3A_696 = arith.constant 0 : i32
        %dma_start3A_697 = tpu.memref_slice %arg8[%dma_start3A_690, %dma_start3A_691, %dma_start3A_696] : memref<2x5x40xi32, #tpu.memory_space<vmem>> -> memref<1x1x40xi32, #tpu.memory_space<vmem>>
        %dma_start3A_698 = tpu.memref_squeeze %dma_start3A_697 : memref<1x1x40xi32, #tpu.memory_space<vmem>> -> memref<40xi32, #tpu.memory_space<vmem>>
        %dma_start3A_699 = tpu.memref_slice %arg3[%add3A_689] : memref<320000xi32, #tpu.memory_space<hbm>> -> memref<40xi32, #tpu.memory_space<hbm>>
        tpu.enqueue_dma source(%dma_start3A_699 : memref<40xi32, #tpu.memory_space<hbm>>) target(%dma_start3A_698 : memref<40xi32, #tpu.memory_space<vmem>>) target_semaphore(%arg15 : memref<!tpu.dma_semaphore, #tpu.memory_space<semaphore_mem>>)
        %add3A_700 = arith.constant 120 : i32
        %add3A_701 = arith.addi %add3A_654, %add3A_700 : i32
        %dma_start3A_702 = arith.constant 0 : i32
        %dma_start3A_703 = arith.constant 3 : i32
        %dma_start3A_704 = arith.constant 0 : i32
        %dma_start3A_705 = tpu.memref_slice %arg8[%dma_start3A_702, %dma_start3A_703, %dma_start3A_704] : memref<2x5x40xi32, #tpu.memory_space<vmem>> -> memref<1x1x40xi32, #tpu.memory_space<vmem>>
        %dma_start3A_706 = tpu.memref_squeeze %dma_start3A_705 : memref<1x1x40xi32, #tpu.memory_space<vmem>> -> memref<40xi32, #tpu.memory_space<vmem>>
        %dma_start3A_707 = tpu.memref_slice %arg3[%add3A_701] : memref<320000xi32, #tpu.memory_space<hbm>> -> memref<40xi32, #tpu.memory_space<hbm>>
        %dma_start3A_708 = arith.constant 0 : i32
        %dma_start3A_709 = tpu.memref_slice %arg8[%dma_start3A_702, %dma_start3A_703, %dma_start3A_708] : memref<2x5x40xi32, #tpu.memory_space<vmem>> -> memref<1x1x40xi32, #tpu.memory_space<vmem>>
        %dma_start3A_710 = tpu.memref_squeeze %dma_start3A_709 : memref<1x1x40xi32, #tpu.memory_space<vmem>> -> memref<40xi32, #tpu.memory_space<vmem>>
        %dma_start3A_711 = tpu.memref_slice %arg3[%add3A_701] : memref<320000xi32, #tpu.memory_space<hbm>> -> memref<40xi32, #tpu.memory_space<hbm>>
        tpu.enqueue_dma source(%dma_start3A_711 : memref<40xi32, #tpu.memory_space<hbm>>) target(%dma_start3A_710 : memref<40xi32, #tpu.memory_space<vmem>>) target_semaphore(%arg15 : memref<!tpu.dma_semaphore, #tpu.memory_space<semaphore_mem>>)
        %add3A_712 = arith.constant 160 : i32
        %add3A_713 = arith.addi %add3A_654, %add3A_712 : i32
        %dma_start3A_714 = arith.constant 0 : i32
        %dma_start3A_715 = arith.constant 4 : i32
        %dma_start3A_716 = arith.constant 0 : i32
        %dma_start3A_717 = tpu.memref_slice %arg8[%dma_start3A_714, %dma_start3A_715, %dma_start3A_716] : memref<2x5x40xi32, #tpu.memory_space<vmem>> -> memref<1x1x40xi32, #tpu.memory_space<vmem>>
        %dma_start3A_718 = tpu.memref_squeeze %dma_start3A_717 : memref<1x1x40xi32, #tpu.memory_space<vmem>> -> memref<40xi32, #tpu.memory_space<vmem>>
        %dma_start3A_719 = tpu.memref_slice %arg3[%add3A_713] : memref<320000xi32, #tpu.memory_space<hbm>> -> memref<40xi32, #tpu.memory_space<hbm>>
        %dma_start3A_720 = arith.constant 0 : i32
        %dma_start3A_721 = tpu.memref_slice %arg8[%dma_start3A_714, %dma_start3A_715, %dma_start3A_720] : memref<2x5x40xi32, #tpu.memory_space<vmem>> -> memref<1x1x40xi32, #tpu.memory_space<vmem>>
        %dma_start3A_722 = tpu.memref_squeeze %dma_start3A_721 : memref<1x1x40xi32, #tpu.memory_space<vmem>> -> memref<40xi32, #tpu.memory_space<vmem>>
        %dma_start3A_723 = tpu.memref_slice %arg3[%add3A_713] : memref<320000xi32, #tpu.memory_space<hbm>> -> memref<40xi32, #tpu.memory_space<hbm>>
        tpu.enqueue_dma source(%dma_start3A_723 : memref<40xi32, #tpu.memory_space<hbm>>) target(%dma_start3A_722 : memref<40xi32, #tpu.memory_space<vmem>>) target_semaphore(%arg15 : memref<!tpu.dma_semaphore, #tpu.memory_space<semaphore_mem>>)
      } else {
      }
      %dma_start3A_508 = arith.constant 1 : i32
      %dma_start3A_509 = arith.constant 40 : i32
      %dma_start3A_510 = tpu.memref_slice %arg7[%dma_start3A_508, %dma_start3A_509] : memref<2x200xi32, #tpu.memory_space<vmem>> -> memref<1x40xi32, #tpu.memory_space<vmem>>
      %dma_start3A_511 = tpu.memref_squeeze %dma_start3A_510 : memref<1x40xi32, #tpu.memory_space<vmem>> -> memref<40xi32, #tpu.memory_space<vmem>>
      %dma_start3A_512 = arith.constant 0 : i32
      %dma_start3A_513 = arith.constant 0 : i32
      %dma_start3A_514 = tpu.memref_slice %arg4[%dma_start3A_512, %dma_start3A_513] : memref<10000x256xf32, #tpu.memory_space<hbm>> -> memref<10000x256xf32, #tpu.memory_space<hbm>>
      tpu.enqueue_indirect_dma source(%dma_start3A_514 : memref<10000x256xf32, #tpu.memory_space<hbm>>) target(%arg9 : memref<40x256xf32, #tpu.memory_space<vmem>>) offsets(%dma_start3A_511 : memref<40xi32, #tpu.memory_space<vmem>>) semaphore(%arg17 : memref<!tpu.dma_semaphore, #tpu.memory_space<semaphore_mem>>)
      %dma_start3A_515 = arith.constant 1 : i32
      %dma_start3A_516 = arith.constant 1 : i32
      %dma_start3A_517 = arith.constant 0 : i32
      %dma_start3A_518 = tpu.memref_slice %arg8[%dma_start3A_515, %dma_start3A_516, %dma_start3A_517] : memref<2x5x40xi32, #tpu.memory_space<vmem>> -> memref<1x1x40xi32, #tpu.memory_space<vmem>>
      %dma_start3A_519 = tpu.memref_squeeze %dma_start3A_518 : memref<1x1x40xi32, #tpu.memory_space<vmem>> -> memref<40xi32, #tpu.memory_space<vmem>>
      %dma_start3A_520 = arith.constant 0 : i32
      %dma_start3A_521 = arith.constant 0 : i32
      %dma_start3A_522 = tpu.memref_slice %arg5[%dma_start3A_520, %dma_start3A_521] : memref<10000x128xf32, #tpu.memory_space<hbm>> -> memref<10000x128xf32, #tpu.memory_space<hbm>>
      tpu.enqueue_indirect_dma source(%dma_start3A_522 : memref<10000x128xf32, #tpu.memory_space<hbm>>) target(%arg11 : memref<40x128xf32, #tpu.memory_space<vmem>>) offsets(%dma_start3A_519 : memref<40xi32, #tpu.memory_space<vmem>>) semaphore(%arg19 : memref<!tpu.dma_semaphore, #tpu.memory_space<semaphore_mem>>)
      %dma_wait3A_523 = arith.constant 1 : i32
      %dma_wait3A_524 = arith.constant 0 : i32
      %dma_wait3A_525 = tpu.memref_slice %arg7[%dma_wait3A_523, %dma_wait3A_524] : memref<2x200xi32, #tpu.memory_space<vmem>> -> memref<1x40xi32, #tpu.memory_space<vmem>>
      %dma_wait3A_526 = tpu.memref_squeeze %dma_wait3A_525 : memref<1x40xi32, #tpu.memory_space<vmem>> -> memref<40xi32, #tpu.memory_space<vmem>>
      %dma_wait3A_527 = arith.constant 0 : i32
      %dma_wait3A_528 = arith.constant 0 : i32
      %dma_wait3A_529 = tpu.memref_slice %arg4[%dma_wait3A_527, %dma_wait3A_528] : memref<10000x256xf32, #tpu.memory_space<hbm>> -> memref<10000x256xf32, #tpu.memory_space<hbm>>
      tpu.wait_indirect_dma semaphore(%arg18 : memref<!tpu.dma_semaphore, #tpu.memory_space<semaphore_mem>>) src(%dma_wait3A_529 : memref<10000x256xf32, #tpu.memory_space<hbm>>) dst(%arg10 : memref<40x256xf32, #tpu.memory_space<vmem>>)
      %dma_wait3A_530 = arith.constant 1 : i32
      %dma_wait3A_531 = arith.constant 0 : i32
      %dma_wait3A_532 = arith.constant 0 : i32
      %dma_wait3A_533 = tpu.memref_slice %arg8[%dma_wait3A_530, %dma_wait3A_531, %dma_wait3A_532] : memref<2x5x40xi32, #tpu.memory_space<vmem>> -> memref<1x1x40xi32, #tpu.memory_space<vmem>>
      %dma_wait3A_534 = tpu.memref_squeeze %dma_wait3A_533 : memref<1x1x40xi32, #tpu.memory_space<vmem>> -> memref<40xi32, #tpu.memory_space<vmem>>
      %dma_wait3A_535 = arith.constant 0 : i32
      %dma_wait3A_536 = arith.constant 0 : i32
      %dma_wait3A_537 = tpu.memref_slice %arg5[%dma_wait3A_535, %dma_wait3A_536] : memref<10000x128xf32, #tpu.memory_space<hbm>> -> memref<10000x128xf32, #tpu.memory_space<hbm>>
      tpu.wait_indirect_dma semaphore(%arg20 : memref<!tpu.dma_semaphore, #tpu.memory_space<semaphore_mem>>) src(%dma_wait3A_537 : memref<10000x128xf32, #tpu.memory_space<hbm>>) dst(%arg12 : memref<40x128xf32, #tpu.memory_space<vmem>>)
      %dma_start3A_538 = arith.constant 1 : i32
      %dma_start3A_539 = arith.constant 80 : i32
      %dma_start3A_540 = tpu.memref_slice %arg7[%dma_start3A_538, %dma_start3A_539] : memref<2x200xi32, #tpu.memory_space<vmem>> -> memref<1x40xi32, #tpu.memory_space<vmem>>
      %dma_start3A_541 = tpu.memref_squeeze %dma_start3A_540 : memref<1x40xi32, #tpu.memory_space<vmem>> -> memref<40xi32, #tpu.memory_space<vmem>>
      %dma_start3A_542 = arith.constant 0 : i32
      %dma_start3A_543 = arith.constant 0 : i32
      %dma_start3A_544 = tpu.memref_slice %arg4[%dma_start3A_542, %dma_start3A_543] : memref<10000x256xf32, #tpu.memory_space<hbm>> -> memref<10000x256xf32, #tpu.memory_space<hbm>>
      tpu.enqueue_indirect_dma source(%dma_start3A_544 : memref<10000x256xf32, #tpu.memory_space<hbm>>) target(%arg10 : memref<40x256xf32, #tpu.memory_space<vmem>>) offsets(%dma_start3A_541 : memref<40xi32, #tpu.memory_space<vmem>>) semaphore(%arg18 : memref<!tpu.dma_semaphore, #tpu.memory_space<semaphore_mem>>)
      %dma_start3A_545 = arith.constant 1 : i32
      %dma_start3A_546 = arith.constant 2 : i32
      %dma_start3A_547 = arith.constant 0 : i32
      %dma_start3A_548 = tpu.memref_slice %arg8[%dma_start3A_545, %dma_start3A_546, %dma_start3A_547] : memref<2x5x40xi32, #tpu.memory_space<vmem>> -> memref<1x1x40xi32, #tpu.memory_space<vmem>>
      %dma_start3A_549 = tpu.memref_squeeze %dma_start3A_548 : memref<1x1x40xi32, #tpu.memory_space<vmem>> -> memref<40xi32, #tpu.memory_space<vmem>>
      %dma_start3A_550 = arith.constant 0 : i32
      %dma_start3A_551 = arith.constant 0 : i32
      %dma_start3A_552 = tpu.memref_slice %arg5[%dma_start3A_550, %dma_start3A_551] : memref<10000x128xf32, #tpu.memory_space<hbm>> -> memref<10000x128xf32, #tpu.memory_space<hbm>>
      tpu.enqueue_indirect_dma source(%dma_start3A_552 : memref<10000x128xf32, #tpu.memory_space<hbm>>) target(%arg12 : memref<40x128xf32, #tpu.memory_space<vmem>>) offsets(%dma_start3A_549 : memref<40xi32, #tpu.memory_space<vmem>>) semaphore(%arg20 : memref<!tpu.dma_semaphore, #tpu.memory_space<semaphore_mem>>)
      %dma_wait3A_553 = arith.constant 1 : i32
      %dma_wait3A_554 = arith.constant 40 : i32
      %dma_wait3A_555 = tpu.memref_slice %arg7[%dma_wait3A_553, %dma_wait3A_554] : memref<2x200xi32, #tpu.memory_space<vmem>> -> memref<1x40xi32, #tpu.memory_space<vmem>>
      %dma_wait3A_556 = tpu.memref_squeeze %dma_wait3A_555 : memref<1x40xi32, #tpu.memory_space<vmem>> -> memref<40xi32, #tpu.memory_space<vmem>>
      %dma_wait3A_557 = arith.constant 0 : i32
      %dma_wait3A_558 = arith.constant 0 : i32
      %dma_wait3A_559 = tpu.memref_slice %arg4[%dma_wait3A_557, %dma_wait3A_558] : memref<10000x256xf32, #tpu.memory_space<hbm>> -> memref<10000x256xf32, #tpu.memory_space<hbm>>
      tpu.wait_indirect_dma semaphore(%arg17 : memref<!tpu.dma_semaphore, #tpu.memory_space<semaphore_mem>>) src(%dma_wait3A_559 : memref<10000x256xf32, #tpu.memory_space<hbm>>) dst(%arg9 : memref<40x256xf32, #tpu.memory_space<vmem>>)
      %dma_wait3A_560 = arith.constant 1 : i32
      %dma_wait3A_561 = arith.constant 1 : i32
      %dma_wait3A_562 = arith.constant 0 : i32
      %dma_wait3A_563 = tpu.memref_slice %arg8[%dma_wait3A_560, %dma_wait3A_561, %dma_wait3A_562] : memref<2x5x40xi32, #tpu.memory_space<vmem>> -> memref<1x1x40xi32, #tpu.memory_space<vmem>>
      %dma_wait3A_564 = tpu.memref_squeeze %dma_wait3A_563 : memref<1x1x40xi32, #tpu.memory_space<vmem>> -> memref<40xi32, #tpu.memory_space<vmem>>
      %dma_wait3A_565 = arith.constant 0 : i32
      %dma_wait3A_566 = arith.constant 0 : i32
      %dma_wait3A_567 = tpu.memref_slice %arg5[%dma_wait3A_565, %dma_wait3A_566] : memref<10000x128xf32, #tpu.memory_space<hbm>> -> memref<10000x128xf32, #tpu.memory_space<hbm>>
      tpu.wait_indirect_dma semaphore(%arg19 : memref<!tpu.dma_semaphore, #tpu.memory_space<semaphore_mem>>) src(%dma_wait3A_567 : memref<10000x128xf32, #tpu.memory_space<hbm>>) dst(%arg11 : memref<40x128xf32, #tpu.memory_space<vmem>>)
      %dma_start3A_568 = arith.constant 1 : i32
      %dma_start3A_569 = arith.constant 120 : i32
      %dma_start3A_570 = tpu.memref_slice %arg7[%dma_start3A_568, %dma_start3A_569] : memref<2x200xi32, #tpu.memory_space<vmem>> -> memref<1x40xi32, #tpu.memory_space<vmem>>
      %dma_start3A_571 = tpu.memref_squeeze %dma_start3A_570 : memref<1x40xi32, #tpu.memory_space<vmem>> -> memref<40xi32, #tpu.memory_space<vmem>>
      %dma_start3A_572 = arith.constant 0 : i32
      %dma_start3A_573 = arith.constant 0 : i32
      %dma_start3A_574 = tpu.memref_slice %arg4[%dma_start3A_572, %dma_start3A_573] : memref<10000x256xf32, #tpu.memory_space<hbm>> -> memref<10000x256xf32, #tpu.memory_space<hbm>>
      tpu.enqueue_indirect_dma source(%dma_start3A_574 : memref<10000x256xf32, #tpu.memory_space<hbm>>) target(%arg9 : memref<40x256xf32, #tpu.memory_space<vmem>>) offsets(%dma_start3A_571 : memref<40xi32, #tpu.memory_space<vmem>>) semaphore(%arg17 : memref<!tpu.dma_semaphore, #tpu.memory_space<semaphore_mem>>)
      %dma_start3A_575 = arith.constant 1 : i32
      %dma_start3A_576 = arith.constant 3 : i32
      %dma_start3A_577 = arith.constant 0 : i32
      %dma_start3A_578 = tpu.memref_slice %arg8[%dma_start3A_575, %dma_start3A_576, %dma_start3A_577] : memref<2x5x40xi32, #tpu.memory_space<vmem>> -> memref<1x1x40xi32, #tpu.memory_space<vmem>>
      %dma_start3A_579 = tpu.memref_squeeze %dma_start3A_578 : memref<1x1x40xi32, #tpu.memory_space<vmem>> -> memref<40xi32, #tpu.memory_space<vmem>>
      %dma_start3A_580 = arith.constant 0 : i32
      %dma_start3A_581 = arith.constant 0 : i32
      %dma_start3A_582 = tpu.memref_slice %arg5[%dma_start3A_580, %dma_start3A_581] : memref<10000x128xf32, #tpu.memory_space<hbm>> -> memref<10000x128xf32, #tpu.memory_space<hbm>>
      tpu.enqueue_indirect_dma source(%dma_start3A_582 : memref<10000x128xf32, #tpu.memory_space<hbm>>) target(%arg11 : memref<40x128xf32, #tpu.memory_space<vmem>>) offsets(%dma_start3A_579 : memref<40xi32, #tpu.memory_space<vmem>>) semaphore(%arg19 : memref<!tpu.dma_semaphore, #tpu.memory_space<semaphore_mem>>)
      %dma_wait3A_583 = arith.constant 1 : i32
      %dma_wait3A_584 = arith.constant 80 : i32
      %dma_wait3A_585 = tpu.memref_slice %arg7[%dma_wait3A_583, %dma_wait3A_584] : memref<2x200xi32, #tpu.memory_space<vmem>> -> memref<1x40xi32, #tpu.memory_space<vmem>>
      %dma_wait3A_586 = tpu.memref_squeeze %dma_wait3A_585 : memref<1x40xi32, #tpu.memory_space<vmem>> -> memref<40xi32, #tpu.memory_space<vmem>>
      %dma_wait3A_587 = arith.constant 0 : i32
      %dma_wait3A_588 = arith.constant 0 : i32
      %dma_wait3A_589 = tpu.memref_slice %arg4[%dma_wait3A_587, %dma_wait3A_588] : memref<10000x256xf32, #tpu.memory_space<hbm>> -> memref<10000x256xf32, #tpu.memory_space<hbm>>
      tpu.wait_indirect_dma semaphore(%arg18 : memref<!tpu.dma_semaphore, #tpu.memory_space<semaphore_mem>>) src(%dma_wait3A_589 : memref<10000x256xf32, #tpu.memory_space<hbm>>) dst(%arg10 : memref<40x256xf32, #tpu.memory_space<vmem>>)
      %dma_wait3A_590 = arith.constant 1 : i32
      %dma_wait3A_591 = arith.constant 2 : i32
      %dma_wait3A_592 = arith.constant 0 : i32
      %dma_wait3A_593 = tpu.memref_slice %arg8[%dma_wait3A_590, %dma_wait3A_591, %dma_wait3A_592] : memref<2x5x40xi32, #tpu.memory_space<vmem>> -> memref<1x1x40xi32, #tpu.memory_space<vmem>>
      %dma_wait3A_594 = tpu.memref_squeeze %dma_wait3A_593 : memref<1x1x40xi32, #tpu.memory_space<vmem>> -> memref<40xi32, #tpu.memory_space<vmem>>
      %dma_wait3A_595 = arith.constant 0 : i32
      %dma_wait3A_596 = arith.constant 0 : i32
      %dma_wait3A_597 = tpu.memref_slice %arg5[%dma_wait3A_595, %dma_wait3A_596] : memref<10000x128xf32, #tpu.memory_space<hbm>> -> memref<10000x128xf32, #tpu.memory_space<hbm>>
      tpu.wait_indirect_dma semaphore(%arg20 : memref<!tpu.dma_semaphore, #tpu.memory_space<semaphore_mem>>) src(%dma_wait3A_597 : memref<10000x128xf32, #tpu.memory_space<hbm>>) dst(%arg12 : memref<40x128xf32, #tpu.memory_space<vmem>>)
      %dma_start3A_598 = arith.constant 1 : i32
      %dma_start3A_599 = arith.constant 160 : i32
      %dma_start3A_600 = tpu.memref_slice %arg7[%dma_start3A_598, %dma_start3A_599] : memref<2x200xi32, #tpu.memory_space<vmem>> -> memref<1x40xi32, #tpu.memory_space<vmem>>
      %dma_start3A_601 = tpu.memref_squeeze %dma_start3A_600 : memref<1x40xi32, #tpu.memory_space<vmem>> -> memref<40xi32, #tpu.memory_space<vmem>>
      %dma_start3A_602 = arith.constant 0 : i32
      %dma_start3A_603 = arith.constant 0 : i32
      %dma_start3A_604 = tpu.memref_slice %arg4[%dma_start3A_602, %dma_start3A_603] : memref<10000x256xf32, #tpu.memory_space<hbm>> -> memref<10000x256xf32, #tpu.memory_space<hbm>>
      tpu.enqueue_indirect_dma source(%dma_start3A_604 : memref<10000x256xf32, #tpu.memory_space<hbm>>) target(%arg10 : memref<40x256xf32, #tpu.memory_space<vmem>>) offsets(%dma_start3A_601 : memref<40xi32, #tpu.memory_space<vmem>>) semaphore(%arg18 : memref<!tpu.dma_semaphore, #tpu.memory_space<semaphore_mem>>)
      %dma_start3A_605 = arith.constant 1 : i32
      %dma_start3A_606 = arith.constant 4 : i32
      %dma_start3A_607 = arith.constant 0 : i32
      %dma_start3A_608 = tpu.memref_slice %arg8[%dma_start3A_605, %dma_start3A_606, %dma_start3A_607] : memref<2x5x40xi32, #tpu.memory_space<vmem>> -> memref<1x1x40xi32, #tpu.memory_space<vmem>>
      %dma_start3A_609 = tpu.memref_squeeze %dma_start3A_608 : memref<1x1x40xi32, #tpu.memory_space<vmem>> -> memref<40xi32, #tpu.memory_space<vmem>>
      %dma_start3A_610 = arith.constant 0 : i32
      %dma_start3A_611 = arith.constant 0 : i32
      %dma_start3A_612 = tpu.memref_slice %arg5[%dma_start3A_610, %dma_start3A_611] : memref<10000x128xf32, #tpu.memory_space<hbm>> -> memref<10000x128xf32, #tpu.memory_space<hbm>>
      tpu.enqueue_indirect_dma source(%dma_start3A_612 : memref<10000x128xf32, #tpu.memory_space<hbm>>) target(%arg12 : memref<40x128xf32, #tpu.memory_space<vmem>>) offsets(%dma_start3A_609 : memref<40xi32, #tpu.memory_space<vmem>>) semaphore(%arg20 : memref<!tpu.dma_semaphore, #tpu.memory_space<semaphore_mem>>)
      %dma_wait3A_613 = arith.constant 1 : i32
      %dma_wait3A_614 = arith.constant 120 : i32
      %dma_wait3A_615 = tpu.memref_slice %arg7[%dma_wait3A_613, %dma_wait3A_614] : memref<2x200xi32, #tpu.memory_space<vmem>> -> memref<1x40xi32, #tpu.memory_space<vmem>>
      %dma_wait3A_616 = tpu.memref_squeeze %dma_wait3A_615 : memref<1x40xi32, #tpu.memory_space<vmem>> -> memref<40xi32, #tpu.memory_space<vmem>>
      %dma_wait3A_617 = arith.constant 0 : i32
      %dma_wait3A_618 = arith.constant 0 : i32
      %dma_wait3A_619 = tpu.memref_slice %arg4[%dma_wait3A_617, %dma_wait3A_618] : memref<10000x256xf32, #tpu.memory_space<hbm>> -> memref<10000x256xf32, #tpu.memory_space<hbm>>
      tpu.wait_indirect_dma semaphore(%arg17 : memref<!tpu.dma_semaphore, #tpu.memory_space<semaphore_mem>>) src(%dma_wait3A_619 : memref<10000x256xf32, #tpu.memory_space<hbm>>) dst(%arg9 : memref<40x256xf32, #tpu.memory_space<vmem>>)
      %dma_wait3A_620 = arith.constant 1 : i32
      %dma_wait3A_621 = arith.constant 3 : i32
      %dma_wait3A_622 = arith.constant 0 : i32
      %dma_wait3A_623 = tpu.memref_slice %arg8[%dma_wait3A_620, %dma_wait3A_621, %dma_wait3A_622] : memref<2x5x40xi32, #tpu.memory_space<vmem>> -> memref<1x1x40xi32, #tpu.memory_space<vmem>>
      %dma_wait3A_624 = tpu.memref_squeeze %dma_wait3A_623 : memref<1x1x40xi32, #tpu.memory_space<vmem>> -> memref<40xi32, #tpu.memory_space<vmem>>
      %dma_wait3A_625 = arith.constant 0 : i32
      %dma_wait3A_626 = arith.constant 0 : i32
      %dma_wait3A_627 = tpu.memref_slice %arg5[%dma_wait3A_625, %dma_wait3A_626] : memref<10000x128xf32, #tpu.memory_space<hbm>> -> memref<10000x128xf32, #tpu.memory_space<hbm>>
      tpu.wait_indirect_dma semaphore(%arg19 : memref<!tpu.dma_semaphore, #tpu.memory_space<semaphore_mem>>) src(%dma_wait3A_627 : memref<10000x128xf32, #tpu.memory_space<hbm>>) dst(%arg11 : memref<40x128xf32, #tpu.memory_space<vmem>>)
      %lt3A_628 = arith.constant 24 : i32
      %lt3A_629 = arith.cmpi slt, %scan3A_281, %lt3A_628 : i32
      %convert_element_type3A_630 = arith.extui %lt3A_629 : i1 to i32
      %cond3A_631 = arith.constant 0 : i32
      %cond3A_632 = arith.cmpi ne, %convert_element_type3A_630, %cond3A_631 : i32
      scf.if %cond3A_632 {
        %add3A_653 = arith.constant 400 : i32
        %add3A_654 = arith.addi %add3A_284, %add3A_653 : i32
        %dma_wait3A_655 = arith.constant 0 : i32
        %dma_wait3A_656 = arith.constant 0 : i32
        %dma_wait3A_657 = tpu.memref_slice %arg7[%dma_wait3A_655, %dma_wait3A_656] : memref<2x200xi32, #tpu.memory_space<vmem>> -> memref<1x200xi32, #tpu.memory_space<vmem>>
        %dma_wait3A_658 = tpu.memref_squeeze %dma_wait3A_657 : memref<1x200xi32, #tpu.memory_space<vmem>> -> memref<200xi32, #tpu.memory_space<vmem>>
        %dma_wait3A_659 = tpu.memref_slice %arg2[%add3A_654] : memref<320000xi32, #tpu.memory_space<hbm>> -> memref<200xi32, #tpu.memory_space<hbm>>
        %dma_wait3A_660 = arith.constant 0 : i32
        %dma_wait3A_661 = tpu.memref_slice %arg7[%dma_wait3A_655, %dma_wait3A_660] : memref<2x200xi32, #tpu.memory_space<vmem>> -> memref<1x200xi32, #tpu.memory_space<vmem>>
        %dma_wait3A_662 = tpu.memref_squeeze %dma_wait3A_661 : memref<1x200xi32, #tpu.memory_space<vmem>> -> memref<200xi32, #tpu.memory_space<vmem>>
        %dma_wait3A_663 = tpu.memref_slice %arg2[%add3A_654] : memref<320000xi32, #tpu.memory_space<hbm>> -> memref<200xi32, #tpu.memory_space<hbm>>
        tpu.wait_dma2 semaphore(%arg15 : memref<!tpu.dma_semaphore, #tpu.memory_space<semaphore_mem>>) src(%dma_wait3A_663 : memref<200xi32, #tpu.memory_space<hbm>>) dst(%dma_wait3A_662 : memref<200xi32, #tpu.memory_space<vmem>>)
        %add3A_664 = arith.constant 0 : i32
        %add3A_665 = arith.addi %add3A_654, %add3A_664 : i32
        %dma_wait3A_666 = arith.constant 0 : i32
        %dma_wait3A_667 = arith.constant 0 : i32
        %dma_wait3A_668 = arith.constant 0 : i32
        %dma_wait3A_669 = tpu.memref_slice %arg8[%dma_wait3A_666, %dma_wait3A_667, %dma_wait3A_668] : memref<2x5x40xi32, #tpu.memory_space<vmem>> -> memref<1x1x40xi32, #tpu.memory_space<vmem>>
        %dma_wait3A_670 = tpu.memref_squeeze %dma_wait3A_669 : memref<1x1x40xi32, #tpu.memory_space<vmem>> -> memref<40xi32, #tpu.memory_space<vmem>>
        %dma_wait3A_671 = tpu.memref_slice %arg3[%add3A_665] : memref<320000xi32, #tpu.memory_space<hbm>> -> memref<40xi32, #tpu.memory_space<hbm>>
        %dma_wait3A_672 = arith.constant 0 : i32
        %dma_wait3A_673 = tpu.memref_slice %arg8[%dma_wait3A_666, %dma_wait3A_667, %dma_wait3A_672] : memref<2x5x40xi32, #tpu.memory_space<vmem>> -> memref<1x1x40xi32, #tpu.memory_space<vmem>>
        %dma_wait3A_674 = tpu.memref_squeeze %dma_wait3A_673 : memref<1x1x40xi32, #tpu.memory_space<vmem>> -> memref<40xi32, #tpu.memory_space<vmem>>
        %dma_wait3A_675 = tpu.memref_slice %arg3[%add3A_665] : memref<320000xi32, #tpu.memory_space<hbm>> -> memref<40xi32, #tpu.memory_space<hbm>>
        tpu.wait_dma2 semaphore(%arg15 : memref<!tpu.dma_semaphore, #tpu.memory_space<semaphore_mem>>) src(%dma_wait3A_675 : memref<40xi32, #tpu.memory_space<hbm>>) dst(%dma_wait3A_674 : memref<40xi32, #tpu.memory_space<vmem>>)
        %add3A_676 = arith.constant 40 : i32
        %add3A_677 = arith.addi %add3A_654, %add3A_676 : i32
        %dma_wait3A_678 = arith.constant 0 : i32
        %dma_wait3A_679 = arith.constant 1 : i32
        %dma_wait3A_680 = arith.constant 0 : i32
        %dma_wait3A_681 = tpu.memref_slice %arg8[%dma_wait3A_678, %dma_wait3A_679, %dma_wait3A_680] : memref<2x5x40xi32, #tpu.memory_space<vmem>> -> memref<1x1x40xi32, #tpu.memory_space<vmem>>
        %dma_wait3A_682 = tpu.memref_squeeze %dma_wait3A_681 : memref<1x1x40xi32, #tpu.memory_space<vmem>> -> memref<40xi32, #tpu.memory_space<vmem>>
        %dma_wait3A_683 = tpu.memref_slice %arg3[%add3A_677] : memref<320000xi32, #tpu.memory_space<hbm>> -> memref<40xi32, #tpu.memory_space<hbm>>
        %dma_wait3A_684 = arith.constant 0 : i32
        %dma_wait3A_685 = tpu.memref_slice %arg8[%dma_wait3A_678, %dma_wait3A_679, %dma_wait3A_684] : memref<2x5x40xi32, #tpu.memory_space<vmem>> -> memref<1x1x40xi32, #tpu.memory_space<vmem>>
        %dma_wait3A_686 = tpu.memref_squeeze %dma_wait3A_685 : memref<1x1x40xi32, #tpu.memory_space<vmem>> -> memref<40xi32, #tpu.memory_space<vmem>>
        %dma_wait3A_687 = tpu.memref_slice %arg3[%add3A_677] : memref<320000xi32, #tpu.memory_space<hbm>> -> memref<40xi32, #tpu.memory_space<hbm>>
        tpu.wait_dma2 semaphore(%arg15 : memref<!tpu.dma_semaphore, #tpu.memory_space<semaphore_mem>>) src(%dma_wait3A_687 : memref<40xi32, #tpu.memory_space<hbm>>) dst(%dma_wait3A_686 : memref<40xi32, #tpu.memory_space<vmem>>)
        %add3A_688 = arith.constant 80 : i32
        %add3A_689 = arith.addi %add3A_654, %add3A_688 : i32
        %dma_wait3A_690 = arith.constant 0 : i32
        %dma_wait3A_691 = arith.constant 2 : i32
        %dma_wait3A_692 = arith.constant 0 : i32
        %dma_wait3A_693 = tpu.memref_slice %arg8[%dma_wait3A_690, %dma_wait3A_691, %dma_wait3A_692] : memref<2x5x40xi32, #tpu.memory_space<vmem>> -> memref<1x1x40xi32, #tpu.memory_space<vmem>>
        %dma_wait3A_694 = tpu.memref_squeeze %dma_wait3A_693 : memref<1x1x40xi32, #tpu.memory_space<vmem>> -> memref<40xi32, #tpu.memory_space<vmem>>
        %dma_wait3A_695 = tpu.memref_slice %arg3[%add3A_689] : memref<320000xi32, #tpu.memory_space<hbm>> -> memref<40xi32, #tpu.memory_space<hbm>>
        %dma_wait3A_696 = arith.constant 0 : i32
        %dma_wait3A_697 = tpu.memref_slice %arg8[%dma_wait3A_690, %dma_wait3A_691, %dma_wait3A_696] : memref<2x5x40xi32, #tpu.memory_space<vmem>> -> memref<1x1x40xi32, #tpu.memory_space<vmem>>
        %dma_wait3A_698 = tpu.memref_squeeze %dma_wait3A_697 : memref<1x1x40xi32, #tpu.memory_space<vmem>> -> memref<40xi32, #tpu.memory_space<vmem>>
        %dma_wait3A_699 = tpu.memref_slice %arg3[%add3A_689] : memref<320000xi32, #tpu.memory_space<hbm>> -> memref<40xi32, #tpu.memory_space<hbm>>
        tpu.wait_dma2 semaphore(%arg15 : memref<!tpu.dma_semaphore, #tpu.memory_space<semaphore_mem>>) src(%dma_wait3A_699 : memref<40xi32, #tpu.memory_space<hbm>>) dst(%dma_wait3A_698 : memref<40xi32, #tpu.memory_space<vmem>>)
        %add3A_700 = arith.constant 120 : i32
        %add3A_701 = arith.addi %add3A_654, %add3A_700 : i32
        %dma_wait3A_702 = arith.constant 0 : i32
        %dma_wait3A_703 = arith.constant 3 : i32
        %dma_wait3A_704 = arith.constant 0 : i32
        %dma_wait3A_705 = tpu.memref_slice %arg8[%dma_wait3A_702, %dma_wait3A_703, %dma_wait3A_704] : memref<2x5x40xi32, #tpu.memory_space<vmem>> -> memref<1x1x40xi32, #tpu.memory_space<vmem>>
        %dma_wait3A_706 = tpu.memref_squeeze %dma_wait3A_705 : memref<1x1x40xi32, #tpu.memory_space<vmem>> -> memref<40xi32, #tpu.memory_space<vmem>>
        %dma_wait3A_707 = tpu.memref_slice %arg3[%add3A_701] : memref<320000xi32, #tpu.memory_space<hbm>> -> memref<40xi32, #tpu.memory_space<hbm>>
        %dma_wait3A_708 = arith.constant 0 : i32
        %dma_wait3A_709 = tpu.memref_slice %arg8[%dma_wait3A_702, %dma_wait3A_703, %dma_wait3A_708] : memref<2x5x40xi32, #tpu.memory_space<vmem>> -> memref<1x1x40xi32, #tpu.memory_space<vmem>>
        %dma_wait3A_710 = tpu.memref_squeeze %dma_wait3A_709 : memref<1x1x40xi32, #tpu.memory_space<vmem>> -> memref<40xi32, #tpu.memory_space<vmem>>
        %dma_wait3A_711 = tpu.memref_slice %arg3[%add3A_701] : memref<320000xi32, #tpu.memory_space<hbm>> -> memref<40xi32, #tpu.memory_space<hbm>>
        tpu.wait_dma2 semaphore(%arg15 : memref<!tpu.dma_semaphore, #tpu.memory_space<semaphore_mem>>) src(%dma_wait3A_711 : memref<40xi32, #tpu.memory_space<hbm>>) dst(%dma_wait3A_710 : memref<40xi32, #tpu.memory_space<vmem>>)
        %add3A_712 = arith.constant 160 : i32
        %add3A_713 = arith.addi %add3A_654, %add3A_712 : i32
        %dma_wait3A_714 = arith.constant 0 : i32
        %dma_wait3A_715 = arith.constant 4 : i32
        %dma_wait3A_716 = arith.constant 0 : i32
        %dma_wait3A_717 = tpu.memref_slice %arg8[%dma_wait3A_714, %dma_wait3A_715, %dma_wait3A_716] : memref<2x5x40xi32, #tpu.memory_space<vmem>> -> memref<1x1x40xi32, #tpu.memory_space<vmem>>
        %dma_wait3A_718 = tpu.memref_squeeze %dma_wait3A_717 : memref<1x1x40xi32, #tpu.memory_space<vmem>> -> memref<40xi32, #tpu.memory_space<vmem>>
        %dma_wait3A_719 = tpu.memref_slice %arg3[%add3A_713] : memref<320000xi32, #tpu.memory_space<hbm>> -> memref<40xi32, #tpu.memory_space<hbm>>
        %dma_wait3A_720 = arith.constant 0 : i32
        %dma_wait3A_721 = tpu.memref_slice %arg8[%dma_wait3A_714, %dma_wait3A_715, %dma_wait3A_720] : memref<2x5x40xi32, #tpu.memory_space<vmem>> -> memref<1x1x40xi32, #tpu.memory_space<vmem>>
        %dma_wait3A_722 = tpu.memref_squeeze %dma_wait3A_721 : memref<1x1x40xi32, #tpu.memory_space<vmem>> -> memref<40xi32, #tpu.memory_space<vmem>>
        %dma_wait3A_723 = tpu.memref_slice %arg3[%add3A_713] : memref<320000xi32, #tpu.memory_space<hbm>> -> memref<40xi32, #tpu.memory_space<hbm>>
        tpu.wait_dma2 semaphore(%arg15 : memref<!tpu.dma_semaphore, #tpu.memory_space<semaphore_mem>>) src(%dma_wait3A_723 : memref<40xi32, #tpu.memory_space<hbm>>) dst(%dma_wait3A_722 : memref<40xi32, #tpu.memory_space<vmem>>)
        %dma_start3A_724 = arith.constant 0 : i32
        %dma_start3A_725 = arith.constant 0 : i32
        %dma_start3A_726 = tpu.memref_slice %arg7[%dma_start3A_724, %dma_start3A_725] : memref<2x200xi32, #tpu.memory_space<vmem>> -> memref<1x40xi32, #tpu.memory_space<vmem>>
        %dma_start3A_727 = tpu.memref_squeeze %dma_start3A_726 : memref<1x40xi32, #tpu.memory_space<vmem>> -> memref<40xi32, #tpu.memory_space<vmem>>
        %dma_start3A_728 = arith.constant 0 : i32
        %dma_start3A_729 = arith.constant 0 : i32
        %dma_start3A_730 = tpu.memref_slice %arg4[%dma_start3A_728, %dma_start3A_729] : memref<10000x256xf32, #tpu.memory_space<hbm>> -> memref<10000x256xf32, #tpu.memory_space<hbm>>
        tpu.enqueue_indirect_dma source(%dma_start3A_730 : memref<10000x256xf32, #tpu.memory_space<hbm>>) target(%arg9 : memref<40x256xf32, #tpu.memory_space<vmem>>) offsets(%dma_start3A_727 : memref<40xi32, #tpu.memory_space<vmem>>) semaphore(%arg17 : memref<!tpu.dma_semaphore, #tpu.memory_space<semaphore_mem>>)
        %dma_start3A_731 = arith.constant 0 : i32
        %dma_start3A_732 = arith.constant 0 : i32
        %dma_start3A_733 = arith.constant 0 : i32
        %dma_start3A_734 = tpu.memref_slice %arg8[%dma_start3A_731, %dma_start3A_732, %dma_start3A_733] : memref<2x5x40xi32, #tpu.memory_space<vmem>> -> memref<1x1x40xi32, #tpu.memory_space<vmem>>
        %dma_start3A_735 = tpu.memref_squeeze %dma_start3A_734 : memref<1x1x40xi32, #tpu.memory_space<vmem>> -> memref<40xi32, #tpu.memory_space<vmem>>
        %dma_start3A_736 = arith.constant 0 : i32
        %dma_start3A_737 = arith.constant 0 : i32
        %dma_start3A_738 = tpu.memref_slice %arg5[%dma_start3A_736, %dma_start3A_737] : memref<10000x128xf32, #tpu.memory_space<hbm>> -> memref<10000x128xf32, #tpu.memory_space<hbm>>
        tpu.enqueue_indirect_dma source(%dma_start3A_738 : memref<10000x128xf32, #tpu.memory_space<hbm>>) target(%arg11 : memref<40x128xf32, #tpu.memory_space<vmem>>) offsets(%dma_start3A_735 : memref<40xi32, #tpu.memory_space<vmem>>) semaphore(%arg19 : memref<!tpu.dma_semaphore, #tpu.memory_space<semaphore_mem>>)
      } else {
      }
      %dma_wait3A_633 = arith.constant 1 : i32
      %dma_wait3A_634 = arith.constant 160 : i32
      %dma_wait3A_635 = tpu.memref_slice %arg7[%dma_wait3A_633, %dma_wait3A_634] : memref<2x200xi32, #tpu.memory_space<vmem>> -> memref<1x40xi32, #tpu.memory_space<vmem>>
      %dma_wait3A_636 = tpu.memref_squeeze %dma_wait3A_635 : memref<1x40xi32, #tpu.memory_space<vmem>> -> memref<40xi32, #tpu.memory_space<vmem>>
      %dma_wait3A_637 = arith.constant 0 : i32
      %dma_wait3A_638 = arith.constant 0 : i32
      %dma_wait3A_639 = tpu.memref_slice %arg4[%dma_wait3A_637, %dma_wait3A_638] : memref<10000x256xf32, #tpu.memory_space<hbm>> -> memref<10000x256xf32, #tpu.memory_space<hbm>>
      tpu.wait_indirect_dma semaphore(%arg18 : memref<!tpu.dma_semaphore, #tpu.memory_space<semaphore_mem>>) src(%dma_wait3A_639 : memref<10000x256xf32, #tpu.memory_space<hbm>>) dst(%arg10 : memref<40x256xf32, #tpu.memory_space<vmem>>)
      %dma_wait3A_640 = arith.constant 1 : i32
      %dma_wait3A_641 = arith.constant 4 : i32
      %dma_wait3A_642 = arith.constant 0 : i32
      %dma_wait3A_643 = tpu.memref_slice %arg8[%dma_wait3A_640, %dma_wait3A_641, %dma_wait3A_642] : memref<2x5x40xi32, #tpu.memory_space<vmem>> -> memref<1x1x40xi32, #tpu.memory_space<vmem>>
      %dma_wait3A_644 = tpu.memref_squeeze %dma_wait3A_643 : memref<1x1x40xi32, #tpu.memory_space<vmem>> -> memref<40xi32, #tpu.memory_space<vmem>>
      %dma_wait3A_645 = arith.constant 0 : i32
      %dma_wait3A_646 = arith.constant 0 : i32
      %dma_wait3A_647 = tpu.memref_slice %arg5[%dma_wait3A_645, %dma_wait3A_646] : memref<10000x128xf32, #tpu.memory_space<hbm>> -> memref<10000x128xf32, #tpu.memory_space<hbm>>
      tpu.wait_indirect_dma semaphore(%arg20 : memref<!tpu.dma_semaphore, #tpu.memory_space<semaphore_mem>>) src(%dma_wait3A_647 : memref<10000x128xf32, #tpu.memory_space<hbm>>) dst(%arg12 : memref<40x128xf32, #tpu.memory_space<vmem>>)
      %lt3A_648 = arith.constant 24 : i32
      %lt3A_649 = arith.cmpi slt, %scan3A_281, %lt3A_648 : i32
      %convert_element_type3A_650 = arith.extui %lt3A_649 : i1 to i32
      %cond3A_651 = arith.constant 0 : i32
      %cond3A_652 = arith.cmpi ne, %convert_element_type3A_650, %cond3A_651 : i32
      scf.if %cond3A_652 {
        %add3A_653 = arith.constant 600 : i32
        %add3A_654 = arith.addi %add3A_284, %add3A_653 : i32
        %dma_start3A_655 = arith.constant 1 : i32
        %dma_start3A_656 = arith.constant 0 : i32
        %dma_start3A_657 = tpu.memref_slice %arg7[%dma_start3A_655, %dma_start3A_656] : memref<2x200xi32, #tpu.memory_space<vmem>> -> memref<1x200xi32, #tpu.memory_space<vmem>>
        %dma_start3A_658 = tpu.memref_squeeze %dma_start3A_657 : memref<1x200xi32, #tpu.memory_space<vmem>> -> memref<200xi32, #tpu.memory_space<vmem>>
        %dma_start3A_659 = tpu.memref_slice %arg2[%add3A_654] : memref<320000xi32, #tpu.memory_space<hbm>> -> memref<200xi32, #tpu.memory_space<hbm>>
        %dma_start3A_660 = arith.constant 0 : i32
        %dma_start3A_661 = tpu.memref_slice %arg7[%dma_start3A_655, %dma_start3A_660] : memref<2x200xi32, #tpu.memory_space<vmem>> -> memref<1x200xi32, #tpu.memory_space<vmem>>
        %dma_start3A_662 = tpu.memref_squeeze %dma_start3A_661 : memref<1x200xi32, #tpu.memory_space<vmem>> -> memref<200xi32, #tpu.memory_space<vmem>>
        %dma_start3A_663 = tpu.memref_slice %arg2[%add3A_654] : memref<320000xi32, #tpu.memory_space<hbm>> -> memref<200xi32, #tpu.memory_space<hbm>>
        tpu.enqueue_dma source(%dma_start3A_663 : memref<200xi32, #tpu.memory_space<hbm>>) target(%dma_start3A_662 : memref<200xi32, #tpu.memory_space<vmem>>) target_semaphore(%arg16 : memref<!tpu.dma_semaphore, #tpu.memory_space<semaphore_mem>>)
        %add3A_664 = arith.constant 0 : i32
        %add3A_665 = arith.addi %add3A_654, %add3A_664 : i32
        %dma_start3A_666 = arith.constant 1 : i32
        %dma_start3A_667 = arith.constant 0 : i32
        %dma_start3A_668 = arith.constant 0 : i32
        %dma_start3A_669 = tpu.memref_slice %arg8[%dma_start3A_666, %dma_start3A_667, %dma_start3A_668] : memref<2x5x40xi32, #tpu.memory_space<vmem>> -> memref<1x1x40xi32, #tpu.memory_space<vmem>>
        %dma_start3A_670 = tpu.memref_squeeze %dma_start3A_669 : memref<1x1x40xi32, #tpu.memory_space<vmem>> -> memref<40xi32, #tpu.memory_space<vmem>>
        %dma_start3A_671 = tpu.memref_slice %arg3[%add3A_665] : memref<320000xi32, #tpu.memory_space<hbm>> -> memref<40xi32, #tpu.memory_space<hbm>>
        %dma_start3A_672 = arith.constant 0 : i32
        %dma_start3A_673 = tpu.memref_slice %arg8[%dma_start3A_666, %dma_start3A_667, %dma_start3A_672] : memref<2x5x40xi32, #tpu.memory_space<vmem>> -> memref<1x1x40xi32, #tpu.memory_space<vmem>>
        %dma_start3A_674 = tpu.memref_squeeze %dma_start3A_673 : memref<1x1x40xi32, #tpu.memory_space<vmem>> -> memref<40xi32, #tpu.memory_space<vmem>>
        %dma_start3A_675 = tpu.memref_slice %arg3[%add3A_665] : memref<320000xi32, #tpu.memory_space<hbm>> -> memref<40xi32, #tpu.memory_space<hbm>>
        tpu.enqueue_dma source(%dma_start3A_675 : memref<40xi32, #tpu.memory_space<hbm>>) target(%dma_start3A_674 : memref<40xi32, #tpu.memory_space<vmem>>) target_semaphore(%arg16 : memref<!tpu.dma_semaphore, #tpu.memory_space<semaphore_mem>>)
        %add3A_676 = arith.constant 40 : i32
        %add3A_677 = arith.addi %add3A_654, %add3A_676 : i32
        %dma_start3A_678 = arith.constant 1 : i32
        %dma_start3A_679 = arith.constant 1 : i32
        %dma_start3A_680 = arith.constant 0 : i32
        %dma_start3A_681 = tpu.memref_slice %arg8[%dma_start3A_678, %dma_start3A_679, %dma_start3A_680] : memref<2x5x40xi32, #tpu.memory_space<vmem>> -> memref<1x1x40xi32, #tpu.memory_space<vmem>>
        %dma_start3A_682 = tpu.memref_squeeze %dma_start3A_681 : memref<1x1x40xi32, #tpu.memory_space<vmem>> -> memref<40xi32, #tpu.memory_space<vmem>>
        %dma_start3A_683 = tpu.memref_slice %arg3[%add3A_677] : memref<320000xi32, #tpu.memory_space<hbm>> -> memref<40xi32, #tpu.memory_space<hbm>>
        %dma_start3A_684 = arith.constant 0 : i32
        %dma_start3A_685 = tpu.memref_slice %arg8[%dma_start3A_678, %dma_start3A_679, %dma_start3A_684] : memref<2x5x40xi32, #tpu.memory_space<vmem>> -> memref<1x1x40xi32, #tpu.memory_space<vmem>>
        %dma_start3A_686 = tpu.memref_squeeze %dma_start3A_685 : memref<1x1x40xi32, #tpu.memory_space<vmem>> -> memref<40xi32, #tpu.memory_space<vmem>>
        %dma_start3A_687 = tpu.memref_slice %arg3[%add3A_677] : memref<320000xi32, #tpu.memory_space<hbm>> -> memref<40xi32, #tpu.memory_space<hbm>>
        tpu.enqueue_dma source(%dma_start3A_687 : memref<40xi32, #tpu.memory_space<hbm>>) target(%dma_start3A_686 : memref<40xi32, #tpu.memory_space<vmem>>) target_semaphore(%arg16 : memref<!tpu.dma_semaphore, #tpu.memory_space<semaphore_mem>>)
        %add3A_688 = arith.constant 80 : i32
        %add3A_689 = arith.addi %add3A_654, %add3A_688 : i32
        %dma_start3A_690 = arith.constant 1 : i32
        %dma_start3A_691 = arith.constant 2 : i32
        %dma_start3A_692 = arith.constant 0 : i32
        %dma_start3A_693 = tpu.memref_slice %arg8[%dma_start3A_690, %dma_start3A_691, %dma_start3A_692] : memref<2x5x40xi32, #tpu.memory_space<vmem>> -> memref<1x1x40xi32, #tpu.memory_space<vmem>>
        %dma_start3A_694 = tpu.memref_squeeze %dma_start3A_693 : memref<1x1x40xi32, #tpu.memory_space<vmem>> -> memref<40xi32, #tpu.memory_space<vmem>>
        %dma_start3A_695 = tpu.memref_slice %arg3[%add3A_689] : memref<320000xi32, #tpu.memory_space<hbm>> -> memref<40xi32, #tpu.memory_space<hbm>>
        %dma_start3A_696 = arith.constant 0 : i32
        %dma_start3A_697 = tpu.memref_slice %arg8[%dma_start3A_690, %dma_start3A_691, %dma_start3A_696] : memref<2x5x40xi32, #tpu.memory_space<vmem>> -> memref<1x1x40xi32, #tpu.memory_space<vmem>>
        %dma_start3A_698 = tpu.memref_squeeze %dma_start3A_697 : memref<1x1x40xi32, #tpu.memory_space<vmem>> -> memref<40xi32, #tpu.memory_space<vmem>>
        %dma_start3A_699 = tpu.memref_slice %arg3[%add3A_689] : memref<320000xi32, #tpu.memory_space<hbm>> -> memref<40xi32, #tpu.memory_space<hbm>>
        tpu.enqueue_dma source(%dma_start3A_699 : memref<40xi32, #tpu.memory_space<hbm>>) target(%dma_start3A_698 : memref<40xi32, #tpu.memory_space<vmem>>) target_semaphore(%arg16 : memref<!tpu.dma_semaphore, #tpu.memory_space<semaphore_mem>>)
        %add3A_700 = arith.constant 120 : i32
        %add3A_701 = arith.addi %add3A_654, %add3A_700 : i32
        %dma_start3A_702 = arith.constant 1 : i32
        %dma_start3A_703 = arith.constant 3 : i32
        %dma_start3A_704 = arith.constant 0 : i32
        %dma_start3A_705 = tpu.memref_slice %arg8[%dma_start3A_702, %dma_start3A_703, %dma_start3A_704] : memref<2x5x40xi32, #tpu.memory_space<vmem>> -> memref<1x1x40xi32, #tpu.memory_space<vmem>>
        %dma_start3A_706 = tpu.memref_squeeze %dma_start3A_705 : memref<1x1x40xi32, #tpu.memory_space<vmem>> -> memref<40xi32, #tpu.memory_space<vmem>>
        %dma_start3A_707 = tpu.memref_slice %arg3[%add3A_701] : memref<320000xi32, #tpu.memory_space<hbm>> -> memref<40xi32, #tpu.memory_space<hbm>>
        %dma_start3A_708 = arith.constant 0 : i32
        %dma_start3A_709 = tpu.memref_slice %arg8[%dma_start3A_702, %dma_start3A_703, %dma_start3A_708] : memref<2x5x40xi32, #tpu.memory_space<vmem>> -> memref<1x1x40xi32, #tpu.memory_space<vmem>>
        %dma_start3A_710 = tpu.memref_squeeze %dma_start3A_709 : memref<1x1x40xi32, #tpu.memory_space<vmem>> -> memref<40xi32, #tpu.memory_space<vmem>>
        %dma_start3A_711 = tpu.memref_slice %arg3[%add3A_701] : memref<320000xi32, #tpu.memory_space<hbm>> -> memref<40xi32, #tpu.memory_space<hbm>>
        tpu.enqueue_dma source(%dma_start3A_711 : memref<40xi32, #tpu.memory_space<hbm>>) target(%dma_start3A_710 : memref<40xi32, #tpu.memory_space<vmem>>) target_semaphore(%arg16 : memref<!tpu.dma_semaphore, #tpu.memory_space<semaphore_mem>>)
        %add3A_712 = arith.constant 160 : i32
        %add3A_713 = arith.addi %add3A_654, %add3A_712 : i32
        %dma_start3A_714 = arith.constant 1 : i32
        %dma_start3A_715 = arith.constant 4 : i32
        %dma_start3A_716 = arith.constant 0 : i32
        %dma_start3A_717 = tpu.memref_slice %arg8[%dma_start3A_714, %dma_start3A_715, %dma_start3A_716] : memref<2x5x40xi32, #tpu.memory_space<vmem>> -> memref<1x1x40xi32, #tpu.memory_space<vmem>>
        %dma_start3A_718 = tpu.memref_squeeze %dma_start3A_717 : memref<1x1x40xi32, #tpu.memory_space<vmem>> -> memref<40xi32, #tpu.memory_space<vmem>>
        %dma_start3A_719 = tpu.memref_slice %arg3[%add3A_713] : memref<320000xi32, #tpu.memory_space<hbm>> -> memref<40xi32, #tpu.memory_space<hbm>>
        %dma_start3A_720 = arith.constant 0 : i32
        %dma_start3A_721 = tpu.memref_slice %arg8[%dma_start3A_714, %dma_start3A_715, %dma_start3A_720] : memref<2x5x40xi32, #tpu.memory_space<vmem>> -> memref<1x1x40xi32, #tpu.memory_space<vmem>>
        %dma_start3A_722 = tpu.memref_squeeze %dma_start3A_721 : memref<1x1x40xi32, #tpu.memory_space<vmem>> -> memref<40xi32, #tpu.memory_space<vmem>>
        %dma_start3A_723 = tpu.memref_slice %arg3[%add3A_713] : memref<320000xi32, #tpu.memory_space<hbm>> -> memref<40xi32, #tpu.memory_space<hbm>>
        tpu.enqueue_dma source(%dma_start3A_723 : memref<40xi32, #tpu.memory_space<hbm>>) target(%dma_start3A_722 : memref<40xi32, #tpu.memory_space<vmem>>) target_semaphore(%arg16 : memref<!tpu.dma_semaphore, #tpu.memory_space<semaphore_mem>>)
      } else {
      }
    }
    %scan3A_272 = arith.constant 25 : i32
    %barrier3A_273 = arith.constant 0 : index
    tpu.barrier barrier_id(%barrier3A_273)
    %mul3A_274 = arith.constant 640 : i32
    %mul3A_275 = arith.muli %arg1, %mul3A_274 : i32
    %mul3A_276 = arith.constant 10240 : i32
    %mul3A_277 = arith.muli %arg0, %mul3A_276 : i32
    %mul3A_278 = arith.constant 640 : i32
    %mul3A_279 = arith.muli %arg1, %mul3A_278 : i32
    %add3A_280 = arith.addi %mul3A_277, %mul3A_279 : i32
    "tpu.region"() ({
      %run_scoped3A = tpu.sem_alloc : memref<!tpu.dma_semaphore, #tpu.memory_space<semaphore_mem>>
      %dma_start3A_281 = arith.constant 0 : i32
      %dma_start3A_282 = tpu.memref_slice %arg6[%add3A_280, %dma_start3A_281] : memref<20480x144xf32, #tpu.memory_space<hbm>> -> memref<640x144xf32, #tpu.memory_space<hbm>>
      %dma_start3A_283 = arith.constant 0 : i32
      %dma_start3A_284 = tpu.memref_slice %arg14[%mul3A_275, %dma_start3A_283] : memref<10240x144xf32, #tpu.memory_space<vmem_shared>> -> memref<640x144xf32, #tpu.memory_space<vmem_shared>>
      tpu.enqueue_dma source(%dma_start3A_284 : memref<640x144xf32, #tpu.memory_space<vmem_shared>>) target(%dma_start3A_282 : memref<640x144xf32, #tpu.memory_space<hbm>>) target_semaphore(%run_scoped3A : memref<!tpu.dma_semaphore, #tpu.memory_space<semaphore_mem>>)
      %dma_wait3A_285 = arith.constant 0 : i32
      %dma_wait3A_286 = tpu.memref_slice %arg6[%add3A_280, %dma_wait3A_285] : memref<20480x144xf32, #tpu.memory_space<hbm>> -> memref<640x144xf32, #tpu.memory_space<hbm>>
      %dma_wait3A_287 = arith.constant 0 : i32
      %dma_wait3A_288 = tpu.memref_slice %arg14[%mul3A_275, %dma_wait3A_287] : memref<10240x144xf32, #tpu.memory_space<vmem_shared>> -> memref<640x144xf32, #tpu.memory_space<vmem_shared>>
      tpu.wait_dma2 semaphore(%run_scoped3A : memref<!tpu.dma_semaphore, #tpu.memory_space<semaphore_mem>>) src(%dma_wait3A_288 : memref<640x144xf32, #tpu.memory_space<vmem_shared>>) dst(%dma_wait3A_286 : memref<640x144xf32, #tpu.memory_space<hbm>>)
      tpu.yield
    }) : () -> ()
    return
  }
}

module attributes {stable_mosaic.version = 14 : i64} {
  func.func @_qkv_body(%arg0: i32, %arg1: memref<2000x128xf32, #tpu.memory_space<vmem>>, %arg2: memref<128x128xf32, #tpu.memory_space<vmem>>, %arg3: memref<1x128xf32, #tpu.memory_space<vmem>>, %arg4: memref<128x256xf32, #tpu.memory_space<vmem>>, %arg5: memref<1x256xf32, #tpu.memory_space<vmem>>, %arg6: memref<2000x128xf32, #tpu.memory_space<vmem>>, %arg7: memref<2000x256xf32, #tpu.memory_space<vmem>>) attributes {dimension_semantics = [#tpu.dimension_semantics<arbitrary>], iteration_bounds = array<i64: 5>, scalar_prefetch = 0 : i64, scratch_operands = 0 : i64, tpu.core_type = #tpu.core_type<tc>, window_params = [{transform_indices = @transform_0, window_bounds = array<i64: 2000, 128>}, {pipeline_mode = #tpu.pipeline_mode<synchronous>, transform_indices = @transform_1, window_bounds = array<i64: 128, 128>}, {pipeline_mode = #tpu.pipeline_mode<synchronous>, transform_indices = @transform_2, window_bounds = array<i64: 1, 128>}, {pipeline_mode = #tpu.pipeline_mode<synchronous>, transform_indices = @transform_3, window_bounds = array<i64: 128, 256>}, {pipeline_mode = #tpu.pipeline_mode<synchronous>, transform_indices = @transform_4, window_bounds = array<i64: 1, 256>}, {transform_indices = @transform_5, window_bounds = array<i64: 2000, 128>}, {transform_indices = @transform_6, window_bounds = array<i64: 2000, 256>}]} {
    %get3A = arith.constant 0 : index
    %get3A_0 = arith.constant 0 : index
    %get3A_1 = vector.load %arg1[%get3A, %get3A_0] : memref<2000x128xf32, #tpu.memory_space<vmem>>, vector<2000x128xf32>
    %get3A_2 = arith.constant 0 : index
    %get3A_3 = arith.constant 0 : index
    %get3A_4 = vector.load %arg2[%get3A_2, %get3A_3] : memref<128x128xf32, #tpu.memory_space<vmem>>, vector<128x128xf32>
    %dot_general3A = arith.constant dense<0.000000e+00> : vector<2000x128xf32>
    %dot_general3A_5 = tpu.matmul %get3A_1, %get3A_4, %dot_general3A {dimension_numbers = #tpu.dot_dimension_numbers<[1], [0], [0], [1], [0, 0, 1, 1], [], []>, transpose_lhs_hint = false} : vector<2000x128xf32>, vector<128x128xf32>, vector<2000x128xf32> -> vector<2000x128xf32>
    %get3A_6 = arith.constant 0 : index
    %get3A_7 = arith.constant 0 : index
    %get3A_8 = vector.load %arg3[%get3A_6, %get3A_7] : memref<1x128xf32, #tpu.memory_space<vmem>>, vector<1x128xf32>
    %add3A = vector.broadcast %get3A_8 : vector<1x128xf32> to vector<2000x128xf32>
    %add3A_9 = arith.addf %dot_general3A_5, %add3A : vector<2000x128xf32>
    %swap3A = arith.constant 0 : index
    %swap3A_10 = arith.constant 0 : index
    %swap3A_11 = vector.load %arg6[%swap3A, %swap3A_10] : memref<2000x128xf32, #tpu.memory_space<vmem>>, vector<2000x128xf32>
    tpu.vector_store %arg6[%swap3A, %swap3A_10], %add3A_9 {strides = array<i32>} : memref<2000x128xf32, #tpu.memory_space<vmem>>, vector<2000x128xf32>,
    %get3A_12 = arith.constant 0 : index
    %get3A_13 = arith.constant 0 : index
    %get3A_14 = vector.load %arg4[%get3A_12, %get3A_13] : memref<128x256xf32, #tpu.memory_space<vmem>>, vector<128x256xf32>
    %dot_general3A_15 = arith.constant dense<0.000000e+00> : vector<2000x256xf32>
    %dot_general3A_16 = tpu.matmul %get3A_1, %get3A_14, %dot_general3A_15 {dimension_numbers = #tpu.dot_dimension_numbers<[1], [0], [0], [1], [0, 0, 1, 1], [], []>, transpose_lhs_hint = false} : vector<2000x128xf32>, vector<128x256xf32>, vector<2000x256xf32> -> vector<2000x256xf32>
    %get3A_17 = arith.constant 0 : index
    %get3A_18 = arith.constant 0 : index
    %get3A_19 = vector.load %arg5[%get3A_17, %get3A_18] : memref<1x256xf32, #tpu.memory_space<vmem>>, vector<1x256xf32>
    %add3A_20 = vector.broadcast %get3A_19 : vector<1x256xf32> to vector<2000x256xf32>
    %add3A_21 = arith.addf %dot_general3A_16, %add3A_20 : vector<2000x256xf32>
    %swap3A_22 = arith.constant 0 : index
    %swap3A_23 = arith.constant 0 : index
    %swap3A_24 = vector.load %arg7[%swap3A_22, %swap3A_23] : memref<2000x256xf32, #tpu.memory_space<vmem>>, vector<2000x256xf32>
    tpu.vector_store %arg7[%swap3A_22, %swap3A_23], %add3A_21 {strides = array<i32>} : memref<2000x256xf32, #tpu.memory_space<vmem>>, vector<2000x256xf32>,
    return
  }
  func.func @transform_0(%arg0: i32) -> (i32, i32) {
    %c0_i32 = arith.constant 0 : i32
    %c0_i32_0 = arith.constant 0 : i32
    return %arg0, %c0_i32 : i32, i32
  }
  func.func @transform_1(%arg0: i32) -> (i32, i32) {
    %c0_i32 = arith.constant 0 : i32
    %c0_i32_0 = arith.constant 0 : i32
    %c0_i32_1 = arith.constant 0 : i32
    return %c0_i32, %c0_i32_0 : i32, i32
  }
  func.func @transform_2(%arg0: i32) -> (i32, i32) {
    %c0_i32 = arith.constant 0 : i32
    %c0_i32_0 = arith.constant 0 : i32
    %c0_i32_1 = arith.constant 0 : i32
    return %c0_i32, %c0_i32_0 : i32, i32
  }
  func.func @transform_3(%arg0: i32) -> (i32, i32) {
    %c0_i32 = arith.constant 0 : i32
    %c0_i32_0 = arith.constant 0 : i32
    %c0_i32_1 = arith.constant 0 : i32
    return %c0_i32, %c0_i32_0 : i32, i32
  }
  func.func @transform_4(%arg0: i32) -> (i32, i32) {
    %c0_i32 = arith.constant 0 : i32
    %c0_i32_0 = arith.constant 0 : i32
    %c0_i32_1 = arith.constant 0 : i32
    return %c0_i32, %c0_i32_0 : i32, i32
  }
  func.func @transform_5(%arg0: i32) -> (i32, i32) {
    %c0_i32 = arith.constant 0 : i32
    %c0_i32_0 = arith.constant 0 : i32
    return %arg0, %c0_i32 : i32, i32
  }
  func.func @transform_6(%arg0: i32) -> (i32, i32) {
    %c0_i32 = arith.constant 0 : i32
    %c0_i32_0 = arith.constant 0 : i32
    return %arg0, %c0_i32 : i32, i32
  }
}

module attributes {stable_mosaic.version = 14 : i64} {
  func.func @_finalize_body(%arg0: i32, %arg1: memref<2x2048x144xf32, #tpu.memory_space<vmem>>, %arg2: memref<128x128xf32, #tpu.memory_space<vmem>>, %arg3: memref<2048x128xf32, #tpu.memory_space<vmem>>) attributes {dimension_semantics = [#tpu.dimension_semantics<arbitrary>], iteration_bounds = array<i64: 5>, scalar_prefetch = 0 : i64, scratch_operands = 0 : i64, tpu.core_type = #tpu.core_type<tc>, window_params = [{transform_indices = @transform_0, window_bounds = array<i64: 2, 2048, 144>}, {pipeline_mode = #tpu.pipeline_mode<synchronous>, transform_indices = @transform_1, window_bounds = array<i64: 128, 128>}, {transform_indices = @transform_2, window_bounds = array<i64: 2048, 128>}]} {
    %get3A = arith.constant 0 : index
    %get3A_0 = arith.constant 0 : index
    %get3A_1 = arith.constant 0 : index
    %get3A_2 = vector.load %arg1[%get3A, %get3A_0, %get3A_1] : memref<2x2048x144xf32, #tpu.memory_space<vmem>>, vector<1x2048x144xf32>
    %get3A_3 = vector.shape_cast %get3A_2 : vector<1x2048x144xf32> to vector<2048x144xf32>
    %get3A_4 = arith.constant 1 : index
    %get3A_5 = arith.constant 0 : index
    %get3A_6 = arith.constant 0 : index
    %get3A_7 = vector.load %arg1[%get3A_4, %get3A_5, %get3A_6] : memref<2x2048x144xf32, #tpu.memory_space<vmem>>, vector<1x2048x144xf32>
    %get3A_8 = vector.shape_cast %get3A_7 : vector<1x2048x144xf32> to vector<2048x144xf32>
    %add3A = arith.addf %get3A_3, %get3A_8 : vector<2048x144xf32>
    %slice3A = vector.extract_strided_slice %add3A {offsets = [0, 128], sizes = [2048, 16], strides = [1, 1]} : vector<2048x144xf32> to vector<2048x16xf32>
    %slice3A_9 = vector.extract_strided_slice %add3A {offsets = [0, 0], sizes = [2048, 16], strides = [1, 1]} : vector<2048x144xf32> to vector<2048x16xf32>
    %div3A = arith.divf %slice3A_9, %slice3A : vector<2048x16xf32>
    %slice3A_10 = vector.extract_strided_slice %add3A {offsets = [0, 16], sizes = [2048, 16], strides = [1, 1]} : vector<2048x144xf32> to vector<2048x16xf32>
    %div3A_11 = arith.divf %slice3A_10, %slice3A : vector<2048x16xf32>
    %slice3A_12 = vector.extract_strided_slice %add3A {offsets = [0, 32], sizes = [2048, 16], strides = [1, 1]} : vector<2048x144xf32> to vector<2048x16xf32>
    %div3A_13 = arith.divf %slice3A_12, %slice3A : vector<2048x16xf32>
    %slice3A_14 = vector.extract_strided_slice %add3A {offsets = [0, 48], sizes = [2048, 16], strides = [1, 1]} : vector<2048x144xf32> to vector<2048x16xf32>
    %div3A_15 = arith.divf %slice3A_14, %slice3A : vector<2048x16xf32>
    %slice3A_16 = vector.extract_strided_slice %add3A {offsets = [0, 64], sizes = [2048, 16], strides = [1, 1]} : vector<2048x144xf32> to vector<2048x16xf32>
    %div3A_17 = arith.divf %slice3A_16, %slice3A : vector<2048x16xf32>
    %slice3A_18 = vector.extract_strided_slice %add3A {offsets = [0, 80], sizes = [2048, 16], strides = [1, 1]} : vector<2048x144xf32> to vector<2048x16xf32>
    %div3A_19 = arith.divf %slice3A_18, %slice3A : vector<2048x16xf32>
    %slice3A_20 = vector.extract_strided_slice %add3A {offsets = [0, 96], sizes = [2048, 16], strides = [1, 1]} : vector<2048x144xf32> to vector<2048x16xf32>
    %div3A_21 = arith.divf %slice3A_20, %slice3A : vector<2048x16xf32>
    %slice3A_22 = vector.extract_strided_slice %add3A {offsets = [0, 112], sizes = [2048, 16], strides = [1, 1]} : vector<2048x144xf32> to vector<2048x16xf32>
    %div3A_23 = arith.divf %slice3A_22, %slice3A : vector<2048x16xf32>
    %concatenate3A = tpu.concatenate %div3A, %div3A_11, %div3A_13, %div3A_15, %div3A_17, %div3A_19, %div3A_21, %div3A_23 in 1 : vector<2048x16xf32>, vector<2048x16xf32>, vector<2048x16xf32>, vector<2048x16xf32>, vector<2048x16xf32>, vector<2048x16xf32>, vector<2048x16xf32>, vector<2048x16xf32> -> vector<2048x128xf32>
    %get3A_24 = arith.constant 0 : index
    %get3A_25 = arith.constant 0 : index
    %get3A_26 = vector.load %arg2[%get3A_24, %get3A_25] : memref<128x128xf32, #tpu.memory_space<vmem>>, vector<128x128xf32>
    %dot_general3A = arith.constant dense<0.000000e+00> : vector<2048x128xf32>
    %dot_general3A_27 = tpu.matmul %concatenate3A, %get3A_26, %dot_general3A {dimension_numbers = #tpu.dot_dimension_numbers<[1], [0], [0], [1], [0, 0, 1, 1], [], []>, transpose_lhs_hint = false} : vector<2048x128xf32>, vector<128x128xf32>, vector<2048x128xf32> -> vector<2048x128xf32>
    %swap3A = arith.constant 0 : index
    %swap3A_28 = arith.constant 0 : index
    %swap3A_29 = vector.load %arg3[%swap3A, %swap3A_28] : memref<2048x128xf32, #tpu.memory_space<vmem>>, vector<2048x128xf32>
    tpu.vector_store %arg3[%swap3A, %swap3A_28], %dot_general3A_27 {strides = array<i32>} : memref<2048x128xf32, #tpu.memory_space<vmem>>, vector<2048x128xf32>,
    return
  }
  func.func @transform_0(%arg0: i32) -> (i32, i32, i32) {
    %c0_i32 = arith.constant 0 : i32
    %c0_i32_0 = arith.constant 0 : i32
    %c0_i32_1 = arith.constant 0 : i32
    return %c0_i32, %arg0, %c0_i32_0 : i32, i32, i32
  }
  func.func @transform_1(%arg0: i32) -> (i32, i32) {
    %c0_i32 = arith.constant 0 : i32
    %c0_i32_0 = arith.constant 0 : i32
    %c0_i32_1 = arith.constant 0 : i32
    return %c0_i32, %c0_i32_0 : i32, i32
  }
  func.func @transform_2(%arg0: i32) -> (i32, i32) {
    %c0_i32 = arith.constant 0 : i32
    %c0_i32_0 = arith.constant 0 : i32
    return %arg0, %c0_i32 : i32, i32
  }
}

</mosaic_0001>

<sc_bundles>
// kernel: kernel.5.cloned.1.call-start
scs
__scs_entry_jumppad:
0x0: {  	(pc) =	sbr.rel $0x88, $3  }
0x1: {  	(tag) =	ssettag $0x0;
	lr =	simm.s32 $0x1  }
0x2: {  	[smem:$0x3F99] =	sst lr;
	_ =	strace $0xD0000000  }
0x3: {  	_ = 	snop  }
0x4: {  	_ = 	snop  }
0x5: {  	_ = 	snop  }
0x6: {  	_ = 	snop  }
0x7: {  	_ = 	snop  }
__scs_overlays_trampoline_lowered:
0x8: {  	[smem:$0x3FA8] =	sst s0  }
0x9: {  	[smem:$0x3FA9] =	sst s1  }
0xa: {  	[smem:$0x3FAA] =	sst s2  }
0xb: {  	[smem:$0x3FAB] =	sst s3  }
0xc: {  	[smem:$0x3FAC] =	sst s4  }
0xd: {  	[smem:$0x3FAD] =	sst s5  }
0xe: {  	[smem:$0x3FAE] =	sst s6  }
0xf: {  	[smem:$0x3FAF] =	sst s7  }
0x10: {  	[smem:$0x3FB0] =	sst s8  }
0x11: {  	[smem:$0x3FB1] =	sst s9;
	s0 =	simm.s32 @!p0 $0x0  }
0x12: {  	s1 =	sld [smem:$0x3F97];
	s0 =	simm.s32 @p0 $0x1  }
0x13: {  	[smem:$0x3FB2] =	sst s0;
	s0 =	simm.s32 @!p1 $0x0  }
0x14: {  	s2 =	sld [smem:$0x3F96];
	s0 =	simm.s32 @p1 $0x1  }
0x15: {  	[smem:$0x3FB3] =	sst s0;
	s0 =	simm.s32 @!p2 $0x0  }
0x16: {  	s3 =	sld [smem:$0x3FDB];
	s0 =	simm.s32 @p2 $0x1  }
0x17: {  	s4 =	simm.s32 $0x1BF5;
	[smem:$0x3FB5] =	sst s0  }
0x18: {  	s0 =	sld [smem:$0x3F98];
	_ =	swait.ge [sflag:s4], $0x0  }
0x19: {  	s7 =	sld [smem:$0x3F99]  }
0x1a: {  	s8 =	sadd.s32 $0xFFFFE003, lr  }
0x1b: {  	s9 =	sadd.s32 $0xFFFFFEF7, lr;
	s5 =	simm.s32 $0xFFFFFFFF;
	p2 =	slt.u32 s8, $0xFFFFF086  }
0x1c: {  	p1 =	slt.u32 s9, $0xF7A;
	s5 =	simm.s32 @!p2 $0x0  }
0x1d: {  	s5 =	simm.s32 @p1 $0x1;
	p0 =	seq.s32 s7, s2  }
0x1e: {  	s7 =	smul.u32 @!p0 $0xF7A, s2;
	p2 =	seq.s32 @!p0 s5, $0x0  }
0x1f: {  	s9 =	smul.u32 $0xF7A, s1;
	s8 =	simm.s32 @!p0 $0x1BF5;
	p2 =	por !p2, p0  }
0x20: {  	[sflag:s8] =	ssyncset.s32 @!p0 $0xFFFFF086;
	s6 =	sadd.s32 @!p0 s3, s7;
	s7 =	simm.s32 @!p0 $0x108  }
0x21: {  	s3 =	sadd.s32 s3, s9;
	s6 =	sadd.s32 @!p0 $0x88, s6;
	s7 =	simm.s32 @p2 $0x1082  }
0x22: {  	[simem:s7], [sflag:s8] =	dma.local @!p0 [hbm:s6], $0xF7A  }
0x23: {  	s9 =	sor.u32 $0xD0000000, s2;
	s6 =	simm.s32 $0x108;
	_ =	swait.ge @!p0 [sflag:s8], $0x0  }
0x24: {  	s3 =	sadd.s32 $0x88, s3;
	s6 =	simm.s32 @!p1 $0x1082;
	[sflag:s4] =	ssyncset.s32 $0xFFFFF086  }
0x25: {  	[simem:s6], [sflag:s4] =	dma.local [hbm:s3], $0xF7A  }
0x26: {  	[smem:$0x3F99] =	sst s1;
	(tag) =	ssettag s2;
	_ =	strace s9  }
0x27: {  	s1 =	sld [smem:$0x3FA9]  }
0x28: {  	s2 =	sld [smem:$0x3FAA]  }
0x29: {  	s4 =	sld [smem:$0x3FAC]  }
0x2a: {  	p0 =	seq.s32 s5, $0x0;
	s5 =	sld [smem:$0x3FAD]  }
0x2b: {  	s6 =	sld [smem:$0x3FAE]  }
0x2c: {  	s7 =	sld [smem:$0x3FAF]  }
0x2d: {  	s3 =	simm.s32 $0x108;
	s8 =	sld [smem:$0x3FB0]  }
0x2e: {  	s3 =	simm.s32 @!p0 $0x1082;
	s9 =	sld [smem:$0x3FB1]  }
0x2f: {  	lr =	sadd.s32 s0, s3;
	s0 =	sld [smem:$0x3FA8]  }
0x30: {  	s3 =	sld [smem:$0x3FAB]  }
0x31: {  	[smem:$0x3FB4] =	sst s10  }
0x32: {  	s10 =	sld [smem:$0x3FB2];
	_ =	sdelay $0x3  }
0x33: {  	p0 =	seq.s32 s10, $0x1;
	s10 =	sld [smem:$0x3FB4];
	_ =	sdelay $0x3  }
0x34: {  	[smem:$0x3FB4] =	sst s10  }
0x35: {  	s10 =	sld [smem:$0x3FB3];
	_ =	sdelay $0x3  }
0x36: {  	p1 =	seq.s32 s10, $0x1;
	s10 =	sld [smem:$0x3FB4];
	_ =	sdelay $0x3  }
0x37: {  	[smem:$0x3FB4] =	sst s10  }
0x38: {  	s10 =	sld [smem:$0x3FB5]  }
0x39: {  	_ = 	snop;
	(pc) =	sbr.ind lr, $3  }
0x3a: {  	_ = 	snop  }
0x3b: {  	_ = 	snop  }
0x3c: {  	p2 =	seq.s32 s10, $0x1;
	s10 =	sld [smem:$0x3FB4]  }
0x3d: {  	_ =	shalt  }
0x3e: {  	_ =	shalt  }
0x3f: {  	_ =	shalt  }
0x40: {  	_ =	shalt  }
0x41: {  	_ =	shalt  }
0x42: {  	_ =	shalt  }
0x43: {  	_ =	shalt  }
0x44: {  	_ =	shalt  }
0x45: {  	_ =	shalt  }
0x46: {  	_ =	shalt  }
0x47: {  	_ =	shalt  }
0x48: {  	_ =	shalt  }
0x49: {  	_ =	shalt  }
0x4a: {  	_ =	shalt  }
0x4b: {  	_ =	shalt  }
0x4c: {  	_ =	shalt  }
0x4d: {  	_ =	shalt  }
0x4e: {  	_ =	shalt  }
0x4f: {  	_ =	shalt  }
0x50: {  	_ =	shalt  }
0x51: {  	_ =	shalt  }
0x52: {  	_ =	shalt  }
0x53: {  	_ =	shalt  }
0x54: {  	_ =	shalt  }
0x55: {  	_ =	shalt  }
0x56: {  	_ =	shalt  }
0x57: {  	_ =	shalt  }
0x58: {  	_ =	shalt  }
0x59: {  	_ =	shalt  }
0x5a: {  	_ =	shalt  }
0x5b: {  	_ =	shalt  }
0x5c: {  	_ =	shalt  }
0x5d: {  	_ =	shalt  }
0x5e: {  	_ =	shalt  }
0x5f: {  	_ =	shalt  }
0x60: {  	_ =	shalt  }
0x61: {  	_ =	shalt  }
0x62: {  	_ =	shalt  }
0x63: {  	_ =	shalt  }
0x64: {  	_ =	shalt  }
0x65: {  	_ =	shalt  }
0x66: {  	_ =	shalt  }
0x67: {  	_ =	shalt  }
0x68: {  	_ =	shalt  }
0x69: {  	_ =	shalt  }
0x6a: {  	_ =	shalt  }
0x6b: {  	_ =	shalt  }
0x6c: {  	_ =	shalt  }
0x6d: {  	_ =	shalt  }
0x6e: {  	_ =	shalt  }
0x6f: {  	_ =	shalt  }
0x70: {  	_ =	shalt  }
0x71: {  	_ =	shalt  }
0x72: {  	_ =	shalt  }
0x73: {  	_ =	shalt  }
0x74: {  	_ =	shalt  }
0x75: {  	_ =	shalt  }
0x76: {  	_ =	shalt  }
0x77: {  	_ =	shalt  }
0x78: {  	_ =	shalt  }
0x79: {  	_ =	shalt  }
0x7a: {  	_ =	shalt  }
0x7b: {  	_ =	shalt  }
0x7c: {  	_ =	shalt  }
0x7d: {  	_ =	shalt  }
0x7e: {  	_ =	shalt  }
0x7f: {  	_ =	shalt  }
0x80: {  	_ =	shalt  }
0x81: {  	_ =	shalt  }
0x82: {  	_ =	shalt  }
0x83: {  	_ =	shalt  }
0x84: {  	_ =	shalt  }
0x85: {  	_ =	shalt  }
0x86: {  	_ =	shalt  }
0x87: {  	_ =	shalt  }
.Lfunc_end0:
.L_simem_size_0:
called_computation_lowered:
.L_overlay_start_0:
0x88: {  	s2 =	sld [smem:$0x3FD9]  }
0x89: {  	s3 =	sld [smem:$0x3FFE];
	_ =	sdelay $0x1  }
0x8a: {  	s1 =	srdreg.scid  }
0x8b: {  	s0 =	sand.u32 $0x1, s1  }
0x8c: {  	s17 =	sshll.u32 s0, $0xA;
	s2 =	sadd.s32 s3, s2  }
0x8d: {  	s2 =	sadd.s32 s2, s17  }
0x8e: {  	[smem:$0x3FC0] =	sst s2  }
0x8f: {  	_ = 	snop  }
0x90: {  	s2 =	sld [smem:$0x3FD0];
	(tm) =	ssettm $0x1  }
0x91: {  	s18 =	sld [smem:$0x3FFB];
	_ =	sdelay $0x3  }
0x92: {  	_ =	strace s18  }
0x93: {  	s3 =	sld [smem:$0x3FFC];
	_ =	sdelay $0x3  }
0x94: {  	_ =	strace s3  }
0x95: {  	s3 =	sld [smem:$0x3FFD];
	_ =	sdelay $0x3  }
0x96: {  	_ =	strace s3  }
0x97: {  	_ =	strace $0x8FFFFFFF  }
0x98: {  	s19 =	sld [smem:$0x3FDB];
	_ =	sdelay $0x1  }
0x99: {  	s4 =	simm.s32 $_scs_section_size  }
0x9a: {  	s5 =	simm.s32 $_size__tile_overlayer_lowered;
	s6 =	simm.s32 $_tile_overlayer_lowered  }
0x9b: {  	s22 =	simm.s32 $0x1BFF;
	s21 =	sshll.u32 s6, $0x1;
	s3 =	sadd.s32 s4, s19  }
0x9c: {  	s7 =	simm.s32 $0x0;
	s20 =	sshll.u32 s5, $0x1;
	s5 =	sadd.s32 s21, s3  }
0x9d: {  	[timem:s7], [sflag:s22] =	dma.local [hbm:s5], s20  }
0x9e: {  	_ =	swait.ge [sflag:s22], s20  }
0x9f: {  	s4 =	ssub.s32 $0x0, s20;
	[sflag:s22] =	ssyncset.done $0x0  }
0xa0: {  	[sflag:s22] =	ssyncadd.s32 s4;
	_ =	sdelay $0x1  }
0xa1: {  	s23 =	simm.s32 $0x1B8B  }
0xa2: {  	_ =	swait.ge [sflag:s23], $0x1  }
0xa3: {  	[sflag:s23] =	ssyncset.done $0x0  }
0xa4: {  	s25 =	simm.s32 $0x1B8E;
	s24 =	sld [smem:$0x3FFE];
	[sflag:s23] =	ssyncadd.s32 $0xFFFFFFFF  }
0xa5: {  	s26 =	simm.s32 $execute0_lowered;
	[smem:$0x3FD2] =	sst s25  }
0xa6: {  	s5 =	sshll.u32 s26, $0x1;
	_ =	strace $0x80000046;
	[dreg:$0x1] =	wrdreg $0xFFFFFFFF  }
0xa7: {  	s28 =	simm.s32 $_size_execute0_lowered;
	s3 =	sadd.s32 s3, s5;
	[dreg:$0x0] =	wrdreg $0x0  }
0xa8: {  	s5 =	sshll.u32 s28, $0x1;
	[dreg:$0x2] =	wrdreg s3  }
0xa9: {  	[dreg:$0x3] =	wrdreg s5  }
0xaa: {  	[dreg:$0x4] =	wrdreg $0xC0  }
0xab: {  	_ =	task [dreg:s7], $0x5FFFF  }
0xac: {  	[dreg:$0x1] =	wrdreg $0xFFFFFFFF  }
0xad: {  	[dreg:$0x0] =	wrdreg $0x60  }
0xae: {  	[dreg:$0x2] =	wrdreg s24  }
0xaf: {  	[dreg:$0x3] =	wrdreg s2  }
0xb0: {  	[dreg:$0x4] =	wrdreg $0x91A00  }
0xb1: {  	[dreg:$0x5] =	wrdreg $0x9  }
0xb2: {  	_ =	task.clear_ibuf [dreg:s7], $0x6FFFF;
	_ =	strace $0x90000046  }
0xb3: {  	s29 =	simm.s32 $0x9;
	_ =	strace $0x80000048  }
0xb4: {  	_ =	swait.ge [sflag:s29], $0x1  }
0xb5: {  	[sflag:s29] =	ssyncadd.s32 $0xFFFFFFFF  }
0xb6: {  	_ =	strace $0x90000048  }
0xb7: {  	_ =	sfence  }
0xb8: {  	s30 =	sld [smem:$0x0];
	_ =	sdelay $0x2  }
0xb9: {  	s31 =	sshll.u32 s1, $0xD;
	s1 =	sshrl.u32 s1, $0x2  }
0xba: {  	s3 =	sand.u32 $0x4000, s31;
	s1 =	sadd.s32 s1, s30  }
0xbb: {  	s0 =	sor.u32 s3, s0;
	s1 =	sshll.u32 s1, $0x11  }
0xbc: {  	s0 =	sor.u32 s1, s0  }
0xbd: {  	s0 =	sadd.s32 $0x8F2B, s0  }
0xbe: {  	[sflag:s0] =	ssyncadd.remote.s32 $0x1  }
0xbf: {  	_ =	sfence.sel $0xFFFF  }
0xc0: {  	[dreg:$0x0] =	wrdreg $0xFFFFFFFF;
	(pc) =	sbr.abs _section_cstart, $3  }
0xc1: {  	[dreg:$0x1] =	wrdreg $0xFFFFFFFF  }
0xc2: {  	_ =	task.clear_ibuf [dreg:s7], $0x2FFFF;
	_ =	strace $0x9FFFFFFF  }
0xc3: {  	(tm) =	ssettm $0x7FFFFFFF  }
tec
execute0_lowered:
.L_overlay_start_1:
0x0: {  	(tag) =	ssettag $0x1  }
0x1: {  	s0 =	rddreg [dreg:$0x0]  }
0x2: {  	s1 =	rddreg [dreg:$0x1]  }
0x3: {  	s2 =	rddreg [dreg:$0x2];
	s3 =	simm.s32 $0x0;
	s11 =	stileid.u32  }
0x4: {  	s4 =	srdreg.scid;
	s30 =	simm.s32 $0x2A8;
	s5 =	smul.u32 $0x2D00, s11  }
0x5: {  	s31 =	simm.s32 $0x2D0;
	s29 =	simm.s32 $0x1;
	s8 =	smul.u32 $0x5A000, s11  }
0x6: {  	[smem:$0x7FF] =	sst s3;
	s4 =	sand.u32 $0x1, s4;
	s17 =	smul.u32 $0x4E20, s11  }
0x7: {  	s7 =	sshll.u32 s11, $0x1;
	s12 =	sadd.s32 $0xA600, s0;
	s6 =	smul.u32 $0x2D000, s4  }
0x8: {  	s7 =	sor.u32 s4, s7;
	s22 =	ssub.s32 $0x2, s4;
	s4 =	smul.u32 $0x2710, s4  }
0x9: {  	s13 =	sadd.s32 $0x800, s0;
	_ =	strace $0x80000047;
	s7 =	smul.u32 $0x2710, s7  }
0xa: {  	s9 =	sshrl.u32 s22, $0x1;
	s8 =	sshrl.u32 s8, $0x2;
	s5 =	sadd.s32 s5, s6  }
0xb: {  	s6 =	sadd.s32 $0x14400, s0;
	s19 =	sadd.s32 s8, s2;
	s21 =	sadd.s32 s4, s17  }
0xc: {  	s0 =	sadd.s32 s5, s0;
	s10 =	sshrl.u32 s7, $0x3;
	s5 =	ssub.s32 s22, s9  }
0xd: {  	s24 =	sadd.s32 $0x28, s7;
	s25 =	sadd.s32 $0x78, s7;
	s26 =	sadd.s32 $0xC8, s7  }
0xe: {  	s16 =	sadd.s32 $0x118, s7;
	s7 =	sadd.s32 $0x168, s7;
	s4 =	sadd.s32 $0x2D0, s21  }
0xf: {  	s9 =	sadd.s32 $0x230, s21;
	s22 =	smov.u32 s12;
	s17 =	sadd.s32 $0x1B8, s21  }
0x10: {  	[dreg:$0x4] =	wrdreg s19;
	s23 =	sadd.s32 s12, s10;
	s10 =	sadd.s32 s13, s10  }
0x11: {  	s2 =	sshrl.u32 s24, $0x3;
	s8 =	sshrl.u32 s25, $0x3;
	s14 =	sshrl.u32 s26, $0x3  }
0x12: {  	s20 =	sshrl.u32 s7, $0x3;
	s0 =	sadd.s32 $0x62600, s0;
	[dreg:$0x5] =	wrdreg s23  }
0x13: {  	s24 =	smax.u32 s5, $0x1;
	s25 =	sadd.s32 $0x2F8, s21;
	[dreg:$0xd] =	wrdreg s0  }
0x14: {  	s4 =	sshrl.u32 s4, $0x3;
	s26 =	sadd.s32 $0x2A8, s21;
	[dreg:$0xe] =	wrdreg s24  }
0x15: {  	s7 =	sadd.s32 $0x280, s21;
	s2 =	sadd.s32 s13, s2;
	[dreg:$0x6] =	wrdreg s10  }
0x16: {  	s8 =	sadd.s32 s13, s8;
	s15 =	sadd.s32 s12, s14;
	[dreg:$0x7] =	wrdreg s2  }
0x17: {  	s4 =	sadd.s32 s4, s13;
	s5 =	sshrl.u32 s26, $0x3;
	[dreg:$0x8] =	wrdreg s8  }
0x18: {  	s23 =	smov.u32 s13;
	s0 =	sadd.s32 $0x190, s21;
	[dreg:$0x9] =	wrdreg s15  }
0x19: {  	s24 =	sadd.s32 $0x2D00, s19;
	s8 =	sshrl.u32 s16, $0x3;
	[dreg:$0x10] =	wrdreg s4  }
0x1a: {  	s2 =	sadd.s32 s13, s14;
	s14 =	sshrl.u32 s9, $0x3;
	[dreg:$0x15] =	wrdreg s0  }
0x1b: {  	s15 =	sadd.s32 $0x208, s21;
	s16 =	sadd.s32 $0x1E0, s21;
	[dreg:$0x17] =	wrdreg s24  }
0x1c: {  	s9 =	sadd.s32 $0xB400, s19;
	s24 =	sadd.s32 $0x28, s10;
	[dreg:$0xa] =	wrdreg s2  }
0x1d: {  	s0 =	simm.s32 $0x2F8;
	s18 =	sadd.s32 s13, s8;
	[dreg:$0x1d] =	wrdreg s9  }
0x1e: {  	s2 =	sadd.s32 s13, s20;
	s8 =	sadd.s32 $0x258, s21;
	[smem:$0x7FD] =	sst s24  }
0x1f: {  	s20 =	sshrl.u32 s17, $0x3;
	s21 =	sadd.s32 $0x1680, s19;
	[dreg:$0xb] =	wrdreg s18  }
0x20: {  	s17 =	sadd.s32 $0x15180, s19;
	s9 =	simm.s32 $0x280;
	[dreg:$0xc] =	wrdreg s2  }
0x21: {  	s24 =	simm.s32 $0x190;
	s2 =	sshrl.u32 s25, $0x3;
	[dreg:$0x16] =	wrdreg s21  }
0x22: {  	s4 =	sshrl.u32 s8, $0x3;
	s8 =	sadd.s32 $0x9D80, s19;
	[smem:$0x7F9] =	sst s17  }
0x23: {  	s18 =	sshrl.u32 s16, $0x3;
	s16 =	sadd.s32 $0x13B00, s19;
	[dreg:$0x1c] =	wrdreg s8  }
0x24: {  	s28 =	sadd.s32 s20, s13;
	s20 =	sadd.s32 $0x14, s10;
	[smem:$0x7F8] =	sst s16  }
0x25: {  	s21 =	sadd.s32 $0x1E, s10;
	s17 =	simm.s32 $0x258;
	[smem:$0x7FB] =	sst s20  }
0x26: {  	s2 =	sadd.s32 s2, s13;
	s11 =	sadd.s32 s4, s13;
	[smem:$0x7FC] =	sst s21  }
0x27: {  	s4 =	sadd.s32 s4, s12;
	s26 =	sadd.s32 s18, s13;
	[dreg:$0xf] =	wrdreg s2  }
0x28: {  	s12 =	sadd.s32 $0xE100, s19;
	s18 =	sadd.s32 $0xA, s10;
	[dreg:$0x13] =	wrdreg s11  }
0x29: {  	s20 =	simm.s32 $0x7;
	s16 =	simm.s32 $0xC8;
	[dreg:$0x14] =	wrdreg s4  }
0x2a: {  	s8 =	simm.s32 $0x5320;
	s10 =	simm.s32 $0x6;
	[dreg:$0x1f] =	wrdreg s12  }
0x2b: {  	s2 =	sadd.s32 s5, s13;
	s4 =	sadd.s32 $0x5A00, s19;
	[smem:$0x7FA] =	sst s18  }
0x2c: {  	s5 =	sadd.s32 $0x7080, s19;
	s11 =	sadd.s32 $0xCA80, s19;
	[dreg:$0x11] =	wrdreg s2  }
0x2d: {  	s12 =	simm.s32 $0x6720;
	s18 =	simm.s32 $0x0;
	[dreg:$0x19] =	wrdreg s4  }
0x2e: {  	s2 =	sshrl.u32 s7, $0x3;
	[dreg:$0x1a] =	wrdreg s5;
	s7 =	sadd.s32 $0x8700, s19  }
0x2f: {  	[dreg:$0x1e] =	wrdreg s11;
	s11 =	simm.s32 $0x2B20;
	s4 =	simm.s32 $0x2  }
0x30: {  	s2 =	sadd.s32 s2, s13;
	[dreg:$0x1b] =	wrdreg s7;
	s7 =	simm.s32 $0x320  }
0x31: {  	[dreg:$0x12] =	wrdreg s2;
	s2 =	sadd.s32 s14, s13;
	s14 =	sadd.s32 $0x10E00, s19  }
.Ltmp0:
0x32: {  	[smem:$0x7F4] =	sst s2;
	s2 =	sshrl.u32 s15, $0x3;
	(pc) =	sbr.rel .LBB2_1-.Ltmp0, $4  }
0x33: {  	[smem:$0x7F6] =	sst s14;
	s15 =	sadd.s32 $0x12480, s19;
	s14 =	simm.s32 $0x5  }
0x34: {  	s25 =	sadd.s32 s2, s13;
	s2 =	sadd.s32 $0x4380, s19;
	[smem:$0x7F7] =	sst s15  }
0x35: {  	s13 =	sadd.s32 $0xF780, s19;
	s15 =	simm.s32 $0x4;
	[dreg:$0x18] =	wrdreg s2  }
0x36: {  	v0 =	vimm.f32 $0.0e+00;
	[smem:$0x7F5] =	sst s13;
	s2 =	simm.s32 $0x28;
	s13 =	simm.s32 $0x3  }
.LBB2_6:
0x37: {  	_ =	swait.ge [sflag:s15], $0x2800  }
0x38: {  	[sflag:s15] =	ssyncset.done $0x0  }
0x39: {  	[sflag:s15] =	ssyncadd.s32 $0xFFFFD800  }
0x3a: {  	_ =	swait.ge [sflag:s10], $0x1400  }
0x3b: {  	[sflag:s10] =	ssyncset.done $0x0  }
0x3c: {  	[sflag:s10] =	ssyncadd.s32 $0xFFFFEC00  }
0x3d: {  	s5 =	stileid.u32;
	[bflag:$0x0] =	sbarrier.arrive $0xFFFF  }
0x3e: {  	s5 =	sshll.u32 s5, $0x6;
	s19 =	rddreg [dreg:$0x4]  }
0x3f: {  	s5 =	sor.u32 $0x1C07, s5;
	s20 =	rddreg [dreg:$0xd];
	s18 =	sshrl.u32 s19, $0x3  }
0x40: {  	[hbm:s20], [sflag:s5] =	dma.local [spmem:s18], $0x2D00  }
0x41: {  	s20 =	simm.s32 $0x7  }
0x42: {  	_ =	swait.ge [sflag:s20], $0x2D00  }
0x43: {  	s5 =	sld [smem:$0x7F3];
	_ =	sdelay $0x2  }
0x44: {  	s21 =	rddreg [dreg:$0xe];
	s18 =	sadd.s32 $0x1, s5  }
0x45: {  	p0 =	sne.s32 s18, s21  }
.Ltmp1:
0x46: {  	_ = 	snop;
	(pc) =	sbr.rel @!p0 .LBB2_7-.Ltmp1, $3  }
0x47: {  	_ =	sdelay $0x1  }
0x48: {  	[sflag:s20] =	ssyncset.done $0x0  }
0x49: {  	[sflag:s20] =	ssyncadd.s32 $0xFFFFD300  }
.LBB2_1:
0x4a: {  	[smem:$0x7F3] =	sst s18;
	s5 =	simm.s32 $0x0;
	s18 =	simm.s32 $0x240  }
.LBB2_2:
0x4b: {  	p0 =	sne.s32 s18, $0x57C0;
	[tilespmem:s5+$0x7BA0] =	vst v0  }
0x4c: {  	[tilespmem:s5+$0x7B20] =	vst v0  }
0x4d: {  	[tilespmem:s5+$0x7B30] =	vst v0  }
0x4e: {  	[tilespmem:s5+$0x7B40] =	vst v0  }
.Ltmp2:
0x4f: {  	[tilespmem:s5+$0x7B50] =	vst v0;
	(pc) =	sbr.rel @p0 .LBB2_2-.Ltmp2, $4  }
0x50: {  	[tilespmem:s5+$0x7B60] =	vst v0  }
0x51: {  	[tilespmem:s5+$0x7B70] =	vst v0  }
0x52: {  	[tilespmem:s5+$0x7B80] =	vst v0  }
0x53: {  	[tilespmem:s5+$0x7B90] =	vst v0;
	s5 =	sshra.s32 s18, $0x2;
	s18 =	sadd.s32 $0x240, s18  }
0x54: {  	[tilespmem:s5+$0x7BA0] =	vst v0  }
0x55: {  	[tilespmem:s5+$0x7B20] =	vst v0  }
0x56: {  	[tilespmem:s5+$0x7B30] =	vst v0  }
0x57: {  	[tilespmem:s5+$0x7B40] =	vst v0  }
0x58: {  	[tilespmem:s5+$0x7B50] =	vst v0  }
0x59: {  	[tilespmem:s5+$0x7B60] =	vst v0  }
0x5a: {  	[tilespmem:s5+$0x7B70] =	vst v0  }
0x5b: {  	[tilespmem:s5+$0x7B80] =	vst v0  }
0x5c: {  	[tilespmem:s5+$0x7B90] =	vst v0;
	s18 =	simm.s32 $0x7B20  }
0x5d: {  	[spmem:s19] =	stream.linear.scatter [tilespmem:s18], [sflag:$0x7], $0x1680, $0x38;
	[tilespmem:$0x1F9A0] =	vst v63  }
0x5e: {  	_ =	swait.ge [sflag:s20], $0x1680  }
0x5f: {  	[sflag:s20] =	ssyncset.done $0x0  }
0x60: {  	s19 =	rddreg [dreg:$0x16];
	[sflag:s20] =	ssyncadd.s32 $0xFFFFE980  }
0x61: {  	[spmem:s19] =	stream.linear.scatter [tilespmem:s18], [sflag:$0x7], $0x1680, $0x38;
	[tilespmem:$0x1F9A0] =	vst v63  }
0x62: {  	_ =	swait.ge [sflag:s20], $0x1680  }
0x63: {  	[sflag:s20] =	ssyncset.done $0x0  }
0x64: {  	s21 =	rddreg [dreg:$0x17];
	[sflag:s20] =	ssyncadd.s32 $0xFFFFE980  }
0x65: {  	[spmem:s21] =	stream.linear.scatter [tilespmem:s18], [sflag:$0x7], $0x1680, $0x38;
	[tilespmem:$0x1F9A0] =	vst v63  }
0x66: {  	_ =	swait.ge [sflag:s20], $0x1680  }
0x67: {  	[sflag:s20] =	ssyncset.done $0x0  }
0x68: {  	s19 =	rddreg [dreg:$0x18];
	[sflag:s20] =	ssyncadd.s32 $0xFFFFE980  }
0x69: {  	[spmem:s19] =	stream.linear.scatter [tilespmem:s18], [sflag:$0x7], $0x1680, $0x38;
	[tilespmem:$0x1F9A0] =	vst v63  }
0x6a: {  	_ =	swait.ge [sflag:s20], $0x1680  }
0x6b: {  	[sflag:s20] =	ssyncset.done $0x0  }
0x6c: {  	s21 =	rddreg [dreg:$0x19];
	[sflag:s20] =	ssyncadd.s32 $0xFFFFE980  }
0x6d: {  	[spmem:s21] =	stream.linear.scatter [tilespmem:s18], [sflag:$0x7], $0x1680, $0x38;
	[tilespmem:$0x1F9A0] =	vst v63  }
0x6e: {  	_ =	swait.ge [sflag:s20], $0x1680  }
0x6f: {  	[sflag:s20] =	ssyncset.done $0x0  }
0x70: {  	s19 =	rddreg [dreg:$0x1a];
	[sflag:s20] =	ssyncadd.s32 $0xFFFFE980  }
0x71: {  	[spmem:s19] =	stream.linear.scatter [tilespmem:s18], [sflag:$0x7], $0x1680, $0x38;
	[tilespmem:$0x1F9A0] =	vst v63  }
0x72: {  	_ =	swait.ge [sflag:s20], $0x1680  }
0x73: {  	[sflag:s20] =	ssyncset.done $0x0  }
0x74: {  	s21 =	rddreg [dreg:$0x1b];
	[sflag:s20] =	ssyncadd.s32 $0xFFFFE980  }
0x75: {  	[spmem:s21] =	stream.linear.scatter [tilespmem:s18], [sflag:$0x7], $0x1680, $0x38;
	[tilespmem:$0x1F9A0] =	vst v63  }
0x76: {  	_ =	swait.ge [sflag:s20], $0x1680  }
0x77: {  	[sflag:s20] =	ssyncset.done $0x0  }
0x78: {  	s19 =	rddreg [dreg:$0x1c];
	[sflag:s20] =	ssyncadd.s32 $0xFFFFE980  }
0x79: {  	[spmem:s19] =	stream.linear.scatter [tilespmem:s18], [sflag:$0x7], $0x1680, $0x38;
	[tilespmem:$0x1F9A0] =	vst v63  }
0x7a: {  	_ =	swait.ge [sflag:s20], $0x1680  }
0x7b: {  	[sflag:s20] =	ssyncset.done $0x0  }
0x7c: {  	s21 =	rddreg [dreg:$0x1d];
	[sflag:s20] =	ssyncadd.s32 $0xFFFFE980  }
0x7d: {  	[spmem:s21] =	stream.linear.scatter [tilespmem:s18], [sflag:$0x7], $0x1680, $0x38;
	[tilespmem:$0x1F9A0] =	vst v63  }
0x7e: {  	_ =	swait.ge [sflag:s20], $0x1680  }
0x7f: {  	[sflag:s20] =	ssyncset.done $0x0  }
0x80: {  	s19 =	rddreg [dreg:$0x1e];
	[sflag:s20] =	ssyncadd.s32 $0xFFFFE980  }
0x81: {  	[spmem:s19] =	stream.linear.scatter [tilespmem:s18], [sflag:$0x7], $0x1680, $0x38;
	[tilespmem:$0x1F9A0] =	vst v63  }
0x82: {  	_ =	swait.ge [sflag:s20], $0x1680  }
0x83: {  	[sflag:s20] =	ssyncset.done $0x0  }
0x84: {  	s21 =	rddreg [dreg:$0x1f];
	[sflag:s20] =	ssyncadd.s32 $0xFFFFE980  }
0x85: {  	[spmem:s21] =	stream.linear.scatter [tilespmem:s18], [sflag:$0x7], $0x1680, $0x38;
	[tilespmem:$0x1F9A0] =	vst v63  }
0x86: {  	_ =	swait.ge [sflag:s20], $0x1680  }
0x87: {  	s19 =	sld [smem:$0x7F5]  }
0x88: {  	[sflag:s20] =	ssyncset.done $0x0  }
0x89: {  	[sflag:s20] =	ssyncadd.s32 $0xFFFFE980  }
0x8a: {  	[spmem:s19] =	stream.linear.scatter [tilespmem:s18], [sflag:$0x7], $0x1680, $0x38;
	[tilespmem:$0x1F9A0] =	vst v63  }
0x8b: {  	_ =	swait.ge [sflag:s20], $0x1680  }
0x8c: {  	s21 =	sld [smem:$0x7F6]  }
0x8d: {  	[sflag:s20] =	ssyncset.done $0x0  }
0x8e: {  	[sflag:s20] =	ssyncadd.s32 $0xFFFFE980  }
0x8f: {  	[spmem:s21] =	stream.linear.scatter [tilespmem:s18], [sflag:$0x7], $0x1680, $0x38;
	[tilespmem:$0x1F9A0] =	vst v63  }
0x90: {  	_ =	swait.ge [sflag:s20], $0x1680  }
0x91: {  	s19 =	sld [smem:$0x7F7]  }
0x92: {  	[sflag:s20] =	ssyncset.done $0x0  }
0x93: {  	[sflag:s20] =	ssyncadd.s32 $0xFFFFE980  }
0x94: {  	[spmem:s19] =	stream.linear.scatter [tilespmem:s18], [sflag:$0x7], $0x1680, $0x38;
	[tilespmem:$0x1F9A0] =	vst v63  }
0x95: {  	_ =	swait.ge [sflag:s20], $0x1680  }
0x96: {  	s21 =	sld [smem:$0x7F8]  }
0x97: {  	[sflag:s20] =	ssyncset.done $0x0  }
0x98: {  	[sflag:s20] =	ssyncadd.s32 $0xFFFFE980  }
0x99: {  	[spmem:s21] =	stream.linear.scatter [tilespmem:s18], [sflag:$0x7], $0x1680, $0x38;
	[tilespmem:$0x1F9A0] =	vst v63  }
0x9a: {  	_ =	swait.ge [sflag:s20], $0x1680  }
0x9b: {  	s19 =	sld [smem:$0x7F9]  }
0x9c: {  	[sflag:s20] =	ssyncset.done $0x0  }
0x9d: {  	[sflag:s20] =	ssyncadd.s32 $0xFFFFE980  }
0x9e: {  	[spmem:s19] =	stream.linear.scatter [tilespmem:s18], [sflag:$0x7], $0x1680, $0x38;
	[tilespmem:$0x1F9A0] =	vst v63  }
0x9f: {  	_ =	swait.ge [sflag:s20], $0x1680  }
0xa0: {  	[sflag:s20] =	ssyncset.done $0x0  }
0xa1: {  	[sflag:s20] =	ssyncadd.s32 $0xFFFFE980  }
0xa2: {  	[bflag:$0x0] =	sbarrier.arrive $0xFFFF  }
0xa3: {  	s5 =	simm.s32 $0x0;
	s20 =	rddreg [dreg:$0x5]  }
0xa4: {  	[tilespmem:s5], [sflag:$0x1] =	stream.linear.gather [hbm4b:s20+s5], $0xC8, $0x38;
	[tilespmem:$0x1F9A0] =	vst v63  }
0xa5: {  	s19 =	simm.s32 $0x190;
	s21 =	rddreg [dreg:$0x6]  }
0xa6: {  	[tilespmem:s19], [sflag:$0x1] =	stream.linear.gather [hbm4b:s21+s5], $0x28, $0x38;
	[tilespmem:$0x1F9A0] =	vst v63  }
0xa7: {  	s20 =	rddreg [dreg:$0x7];
	s21 =	simm.s32 $0x1B8  }
0xa8: {  	[tilespmem:s21], [sflag:$0x1] =	stream.linear.gather [hbm4b:s20+s5], $0x28, $0x38;
	[tilespmem:$0x1F9A0] =	vst v63  }
0xa9: {  	s20 =	sld [smem:$0x7FA];
	_ =	sdelay $0x1  }
0xaa: {  	s21 =	simm.s32 $0x1E0  }
0xab: {  	[tilespmem:s21], [sflag:$0x1] =	stream.linear.gather [hbm4b:s20+s5], $0x28, $0x38;
	[tilespmem:$0x1F9A0] =	vst v63  }
0xac: {  	s20 =	rddreg [dreg:$0x8];
	s21 =	simm.s32 $0x208  }
0xad: {  	[tilespmem:s21], [sflag:$0x1] =	stream.linear.gather [hbm4b:s20+s5], $0x28, $0x38;
	[tilespmem:$0x1F9A0] =	vst v63  }
0xae: {  	s20 =	sld [smem:$0x7FB];
	_ =	sdelay $0x1  }
0xaf: {  	s21 =	simm.s32 $0x230  }
0xb0: {  	[tilespmem:s21], [sflag:$0x1] =	stream.linear.gather [hbm4b:s20+s5], $0x28, $0x38;
	[tilespmem:$0x1F9A0] =	vst v63  }
0xb1: {  	s20 =	rddreg [dreg:$0x9]  }
0xb2: {  	s21 =	rddreg [dreg:$0xa]  }
0xb3: {  	[tilespmem:s16], [sflag:$0x2] =	stream.linear.gather [hbm4b:s20+s5], $0xC8, $0x38;
	[tilespmem:$0x1F9A0] =	vst v63  }
0xb4: {  	s20 =	sld [smem:$0x7FC]  }
0xb5: {  	[tilespmem:s17], [sflag:$0x2] =	stream.linear.gather [hbm4b:s21+s5], $0x28, $0x38;
	[tilespmem:$0x1F9A0] =	vst v63  }
0xb6: {  	s21 =	rddreg [dreg:$0xb]  }
0xb7: {  	[tilespmem:s9], [sflag:$0x2] =	stream.linear.gather [hbm4b:s20+s5], $0x28, $0x38;
	[tilespmem:$0x1F9A0] =	vst v63  }
0xb8: {  	s20 =	sld [smem:$0x7FD]  }
0xb9: {  	[tilespmem:s30], [sflag:$0x2] =	stream.linear.gather [hbm4b:s21+s5], $0x28, $0x38;
	[tilespmem:$0x1F9A0] =	vst v63  }
0xba: {  	_ = 	snop  }
0xbb: {  	[tilespmem:s31], [sflag:$0x2] =	stream.linear.gather [hbm4b:s20+s5], $0x28, $0x38;
	[tilespmem:$0x1F9A0] =	vst v63  }
0xbc: {  	s21 =	rddreg [dreg:$0xc]  }
0xbd: {  	[tilespmem:s0], [sflag:$0x2] =	stream.linear.gather [hbm4b:s21+s5], $0x28, $0x38;
	[tilespmem:$0x1F9A0] =	vst v63  }
0xbe: {  	_ =	swait.ge [sflag:s29], $0xC8  }
0xbf: {  	[sflag:s29] =	ssyncset.done $0x0  }
0xc0: {  	[sflag:s29] =	ssyncadd.s32 $0xFFFFFF38  }
0xc1: {  	_ =	swait.ge [sflag:s29], $0x28  }
0xc2: {  	[sflag:s29] =	ssyncset.done $0x0  }
0xc3: {  	[sflag:s29] =	ssyncadd.s32 $0xFFFFFFD8  }
0xc4: {  	_ =	swait.ge [sflag:s29], $0x28  }
0xc5: {  	[sflag:s29] =	ssyncset.done $0x0  }
0xc6: {  	[sflag:s29] =	ssyncadd.s32 $0xFFFFFFD8  }
0xc7: {  	_ =	swait.ge [sflag:s29], $0x28  }
0xc8: {  	[sflag:s29] =	ssyncset.done $0x0  }
0xc9: {  	[sflag:s29] =	ssyncadd.s32 $0xFFFFFFD8  }
0xca: {  	_ =	swait.ge [sflag:s29], $0x28  }
0xcb: {  	[sflag:s29] =	ssyncset.done $0x0  }
0xcc: {  	[sflag:s29] =	ssyncadd.s32 $0xFFFFFFD8  }
0xcd: {  	_ =	swait.ge [sflag:s29], $0x28  }
0xce: {  	[sflag:s29] =	ssyncset.done $0x0  }
0xcf: {  	[sflag:s29] =	ssyncadd.s32 $0xFFFFFFD8  }
0xd0: {  	[tilespmem:s7], [sflag:$0x3] =	stream.indirect.gather [hbm4b:s6+s2], $0x100, s5, s2, $0xb8;
	[tilespmem:$0x1F9A0] =	vst v63  }
0xd1: {  	s18 =	rddreg [dreg:$0x15]  }
0xd2: {  	[tilespmem:s8], [sflag:$0x5] =	stream.indirect.gather [hbm4b:s1+s2], $0x80, s19, s2, $0xb8;
	[tilespmem:$0x1F9A0] =	vst v63  }
.LBB2_4:
0xd3: {  	[tilespmem:s11], [sflag:$0x4] =	stream.indirect.gather [hbm4b:s6+s2], $0x100, s2, s2, $0xb8;
	[tilespmem:$0x1F9A0] =	vst v63  }
0xd4: {  	s19 =	simm.s32 $0x1B8  }
0xd5: {  	[tilespmem:s12], [sflag:$0x6] =	stream.indirect.gather [hbm4b:s1+s2], $0x80, s19, s2, $0xb8;
	[tilespmem:$0x1F9A0] =	vst v63  }
0xd6: {  	_ =	swait.ge [sflag:s13], $0x2800  }
0xd7: {  	[sflag:s13] =	ssyncset.done $0x0  }
0xd8: {  	[sflag:s13] =	ssyncadd.s32 $0xFFFFD800  }
0xd9: {  	_ =	swait.ge [sflag:s14], $0x1400  }
0xda: {  	[sflag:s14] =	ssyncset.done $0x0  }
0xdb: {  	s20 =	simm.s32 $0x50;
	[sflag:s14] =	ssyncadd.s32 $0xFFFFEC00  }
0xdc: {  	[tilespmem:s7], [sflag:$0x3] =	stream.indirect.gather [hbm4b:s6+s2], $0x100, s20, s2, $0xb8;
	[tilespmem:$0x1F9A0] =	vst v63  }
0xdd: {  	s21 =	simm.s32 $0x1E0  }
0xde: {  	[tilespmem:s8], [sflag:$0x5] =	stream.indirect.gather [hbm4b:s1+s2], $0x80, s21, s2, $0xb8;
	[tilespmem:$0x1F9A0] =	vst v63  }
0xdf: {  	_ =	swait.ge [sflag:s15], $0x2800  }
0xe0: {  	[sflag:s15] =	ssyncset.done $0x0  }
0xe1: {  	[sflag:s15] =	ssyncadd.s32 $0xFFFFD800  }
0xe2: {  	_ =	swait.ge [sflag:s10], $0x1400  }
0xe3: {  	[sflag:s10] =	ssyncset.done $0x0  }
0xe4: {  	s20 =	simm.s32 $0x78;
	[sflag:s10] =	ssyncadd.s32 $0xFFFFEC00  }
0xe5: {  	[tilespmem:s11], [sflag:$0x4] =	stream.indirect.gather [hbm4b:s6+s2], $0x100, s20, s2, $0xb8;
	[tilespmem:$0x1F9A0] =	vst v63  }
0xe6: {  	s21 =	simm.s32 $0x208  }
0xe7: {  	[tilespmem:s12], [sflag:$0x6] =	stream.indirect.gather [hbm4b:s1+s2], $0x80, s21, s2, $0xb8;
	[tilespmem:$0x1F9A0] =	vst v63  }
0xe8: {  	_ =	swait.ge [sflag:s13], $0x2800  }
0xe9: {  	[sflag:s13] =	ssyncset.done $0x0  }
0xea: {  	[sflag:s13] =	ssyncadd.s32 $0xFFFFD800  }
0xeb: {  	_ =	swait.ge [sflag:s14], $0x1400  }
0xec: {  	[sflag:s14] =	ssyncset.done $0x0  }
0xed: {  	s20 =	simm.s32 $0xA0;
	[sflag:s14] =	ssyncadd.s32 $0xFFFFEC00  }
0xee: {  	[tilespmem:s7], [sflag:$0x3] =	stream.indirect.gather [hbm4b:s6+s2], $0x100, s20, s2, $0xb8;
	[tilespmem:$0x1F9A0] =	vst v63  }
0xef: {  	s21 =	simm.s32 $0x230  }
0xf0: {  	[tilespmem:s8], [sflag:$0x5] =	stream.indirect.gather [hbm4b:s1+s2], $0x80, s21, s2, $0xb8;
	[tilespmem:$0x1F9A0] =	vst v63  }
0xf1: {  	_ =	swait.ge [sflag:s15], $0x2800  }
0xf2: {  	[sflag:s15] =	ssyncset.done $0x0  }
0xf3: {  	[sflag:s15] =	ssyncadd.s32 $0xFFFFD800  }
0xf4: {  	_ =	swait.ge [sflag:s10], $0x1400  }
0xf5: {  	[sflag:s10] =	ssyncset.done $0x0  }
0xf6: {  	[sflag:s10] =	ssyncadd.s32 $0xFFFFEC00  }
0xf7: {  	_ =	swait.ge [sflag:s4], $0xC8  }
0xf8: {  	[sflag:s4] =	ssyncset.done $0x0  }
0xf9: {  	[sflag:s4] =	ssyncadd.s32 $0xFFFFFF38  }
0xfa: {  	_ =	swait.ge [sflag:s4], $0x28  }
0xfb: {  	[sflag:s4] =	ssyncset.done $0x0  }
0xfc: {  	[sflag:s4] =	ssyncadd.s32 $0xFFFFFFD8  }
0xfd: {  	_ =	swait.ge [sflag:s4], $0x28  }
0xfe: {  	[sflag:s4] =	ssyncset.done $0x0  }
0xff: {  	[sflag:s4] =	ssyncadd.s32 $0xFFFFFFD8  }
0x100: {  	_ =	swait.ge [sflag:s4], $0x28  }
0x101: {  	[sflag:s4] =	ssyncset.done $0x0  }
0x102: {  	[sflag:s4] =	ssyncadd.s32 $0xFFFFFFD8  }
0x103: {  	_ =	swait.ge [sflag:s4], $0x28  }
0x104: {  	[sflag:s4] =	ssyncset.done $0x0  }
0x105: {  	[sflag:s4] =	ssyncadd.s32 $0xFFFFFFD8  }
0x106: {  	_ =	swait.ge [sflag:s4], $0x28  }
0x107: {  	[sflag:s4] =	ssyncset.done $0x0  }
0x108: {  	[sflag:s4] =	ssyncadd.s32 $0xFFFFFFD8  }
0x109: {  	[tilespmem:s11], [sflag:$0x4] =	stream.indirect.gather [hbm4b:s6+s2], $0x100, s16, s2, $0xb8;
	[tilespmem:$0x1F9A0] =	vst v63  }
0x10a: {  	_ = 	snop  }
0x10b: {  	[tilespmem:s12], [sflag:$0x6] =	stream.indirect.gather [hbm4b:s1+s2], $0x80, s17, s2, $0xb8;
	[tilespmem:$0x1F9A0] =	vst v63  }
0x10c: {  	_ =	swait.ge [sflag:s13], $0x2800  }
0x10d: {  	[sflag:s13] =	ssyncset.done $0x0  }
0x10e: {  	[sflag:s13] =	ssyncadd.s32 $0xFFFFD800  }
0x10f: {  	p0 =	seq.s32 s5, $0x4B0;
	_ =	swait.ge [sflag:s14], $0x1400  }
0x110: {  	s19 =	sshrl.u32 @!p0 s18, $0x3;
	[sflag:s14] =	ssyncset.done $0x0  }
0x111: {  	s20 =	sadd.s32 @!p0 s22, s19;
	s21 =	simm.s32 @!p0 $0x0;
	[sflag:s14] =	ssyncadd.s32 $0xFFFFEC00  }
0x112: {  	[tilespmem:s21], [sflag:$0x1] =	stream.linear.gather @!p0 [hbm4b:s20+s21], $0xC8, $0x38;
	[tilespmem:$0x1F9A0] =	vst v63  }
0x113: {  	s19 =	sadd.s32 @!p0 s23, s19;
	s20 =	simm.s32 @!p0 $0x190  }
0x114: {  	[tilespmem:s20], [sflag:$0x1] =	stream.linear.gather @!p0 [hbm4b:s19+s21], $0x28, $0x38;
	[tilespmem:$0x1F9A0] =	vst v63  }
0x115: {  	s19 =	sadd.s32 @!p0 s5, s28;
	s20 =	simm.s32 @!p0 $0x1B8  }
0x116: {  	[tilespmem:s20], [sflag:$0x1] =	stream.linear.gather @!p0 [hbm4b:s19+s21], $0x28, $0x38;
	[tilespmem:$0x1F9A0] =	vst v63  }
0x117: {  	s19 =	sadd.s32 @!p0 s5, s26;
	s20 =	simm.s32 @!p0 $0x1E0  }
0x118: {  	[tilespmem:s20], [sflag:$0x1] =	stream.linear.gather @!p0 [hbm4b:s19+s21], $0x28, $0x38;
	[tilespmem:$0x1F9A0] =	vst v63  }
0x119: {  	s19 =	sadd.s32 @!p0 s5, s25;
	s20 =	simm.s32 @!p0 $0x208  }
0x11a: {  	[tilespmem:s20], [sflag:$0x1] =	stream.linear.gather @!p0 [hbm4b:s19+s21], $0x28, $0x38;
	[tilespmem:$0x1F9A0] =	vst v63  }
0x11b: {  	s19 =	sld [smem:$0x7F4];
	_ =	sdelay $0x2  }
0x11c: {  	s20 =	simm.s32 @!p0 $0x230;
	s19 =	sadd.s32 @!p0 s5, s19  }
0x11d: {  	[tilespmem:s20], [sflag:$0x1] =	stream.linear.gather @!p0 [hbm4b:s19+s21], $0x28, $0x38;
	[tilespmem:$0x1F9A0] =	vst v63  }
0x11e: {  	s20 =	simm.s32 $0xF0  }
0x11f: {  	[tilespmem:s7], [sflag:$0x3] =	stream.indirect.gather [hbm4b:s6+s2], $0x100, s20, s2, $0xb8;
	[tilespmem:$0x1F9A0] =	vst v63  }
0x120: {  	_ = 	snop  }
0x121: {  	[tilespmem:s8], [sflag:$0x5] =	stream.indirect.gather [hbm4b:s1+s2], $0x80, s9, s2, $0xb8;
	[tilespmem:$0x1F9A0] =	vst v63  }
0x122: {  	_ =	swait.ge [sflag:s15], $0x2800  }
0x123: {  	[sflag:s15] =	ssyncset.done $0x0  }
0x124: {  	[sflag:s15] =	ssyncadd.s32 $0xFFFFD800  }
0x125: {  	_ =	swait.ge [sflag:s10], $0x1400  }
0x126: {  	[sflag:s10] =	ssyncset.done $0x0  }
0x127: {  	s21 =	simm.s32 $0x118;
	[sflag:s10] =	ssyncadd.s32 $0xFFFFEC00  }
0x128: {  	[tilespmem:s11], [sflag:$0x4] =	stream.indirect.gather [hbm4b:s6+s2], $0x100, s21, s2, $0xb8;
	[tilespmem:$0x1F9A0] =	vst v63  }
0x129: {  	_ = 	snop  }
0x12a: {  	[tilespmem:s12], [sflag:$0x6] =	stream.indirect.gather [hbm4b:s1+s2], $0x80, s30, s2, $0xb8;
	[tilespmem:$0x1F9A0] =	vst v63  }
0x12b: {  	_ =	swait.ge [sflag:s13], $0x2800  }
0x12c: {  	[sflag:s13] =	ssyncset.done $0x0  }
0x12d: {  	[sflag:s13] =	ssyncadd.s32 $0xFFFFD800  }
0x12e: {  	_ =	swait.ge [sflag:s14], $0x1400  }
0x12f: {  	[sflag:s14] =	ssyncset.done $0x0  }
0x130: {  	s20 =	simm.s32 $0x140;
	[sflag:s14] =	ssyncadd.s32 $0xFFFFEC00  }
0x131: {  	[tilespmem:s7], [sflag:$0x3] =	stream.indirect.gather [hbm4b:s6+s2], $0x100, s20, s2, $0xb8;
	[tilespmem:$0x1F9A0] =	vst v63  }
0x132: {  	_ = 	snop  }
0x133: {  	[tilespmem:s8], [sflag:$0x5] =	stream.indirect.gather [hbm4b:s1+s2], $0x80, s31, s2, $0xb8;
	[tilespmem:$0x1F9A0] =	vst v63  }
0x134: {  	_ =	swait.ge [sflag:s15], $0x2800  }
0x135: {  	[sflag:s15] =	ssyncset.done $0x0  }
0x136: {  	[sflag:s15] =	ssyncadd.s32 $0xFFFFD800  }
0x137: {  	_ =	swait.ge [sflag:s10], $0x1400  }
0x138: {  	[sflag:s10] =	ssyncset.done $0x0  }
0x139: {  	s21 =	simm.s32 $0x168;
	[sflag:s10] =	ssyncadd.s32 $0xFFFFEC00  }
0x13a: {  	[tilespmem:s11], [sflag:$0x4] =	stream.indirect.gather [hbm4b:s6+s2], $0x100, s21, s2, $0xb8;
	[tilespmem:$0x1F9A0] =	vst v63  }
0x13b: {  	_ = 	snop  }
0x13c: {  	[tilespmem:s12], [sflag:$0x6] =	stream.indirect.gather [hbm4b:s1+s2], $0x80, s0, s2, $0xb8;
	[tilespmem:$0x1F9A0] =	vst v63  }
0x13d: {  	_ =	swait.ge [sflag:s13], $0x2800  }
.Ltmp3:
0x13e: {  	[sflag:s13] =	ssyncset.done $0x0;
	(pc) =	sbr.rel @p0 .LBB2_6-.Ltmp3, $4  }
0x13f: {  	[sflag:s13] =	ssyncadd.s32 $0xFFFFD800  }
0x140: {  	_ =	swait.ge [sflag:s14], $0x1400  }
0x141: {  	[sflag:s14] =	ssyncset.done $0x0  }
0x142: {  	[sflag:s14] =	ssyncadd.s32 $0xFFFFEC00  }
0x143: {  	_ =	swait.ge [sflag:s29], $0xC8  }
0x144: {  	[sflag:s29] =	ssyncset.done $0x0  }
0x145: {  	[sflag:s29] =	ssyncadd.s32 $0xFFFFFF38  }
0x146: {  	_ =	swait.ge [sflag:s29], $0x28  }
0x147: {  	[sflag:s29] =	ssyncset.done $0x0  }
0x148: {  	[sflag:s29] =	ssyncadd.s32 $0xFFFFFFD8  }
0x149: {  	_ =	swait.ge [sflag:s29], $0x28  }
0x14a: {  	[sflag:s29] =	ssyncset.done $0x0  }
0x14b: {  	[sflag:s29] =	ssyncadd.s32 $0xFFFFFFD8  }
0x14c: {  	_ =	swait.ge [sflag:s29], $0x28  }
0x14d: {  	[sflag:s29] =	ssyncset.done $0x0  }
0x14e: {  	[sflag:s29] =	ssyncadd.s32 $0xFFFFFFD8  }
0x14f: {  	_ =	swait.ge [sflag:s29], $0x28  }
0x150: {  	[sflag:s29] =	ssyncset.done $0x0  }
0x151: {  	[sflag:s29] =	ssyncadd.s32 $0xFFFFFFD8  }
0x152: {  	_ =	swait.ge [sflag:s29], $0x28  }
0x153: {  	[sflag:s29] =	ssyncset.done $0x0  }
0x154: {  	[sflag:s29] =	ssyncadd.s32 $0xFFFFFFD8  }
0x155: {  	[tilespmem:s7], [sflag:$0x3] =	stream.indirect.gather [hbm4b:s6+s2], $0x100, s3, s2, $0xb8;
	[tilespmem:$0x1F9A0] =	vst v63  }
0x156: {  	_ = 	snop  }
0x157: {  	[tilespmem:s8], [sflag:$0x5] =	stream.indirect.gather [hbm4b:s1+s2], $0x80, s24, s2, $0xb8;
	[tilespmem:$0x1F9A0] =	vst v63  }
0x158: {  	_ =	swait.ge [sflag:s15], $0x2800  }
0x159: {  	[sflag:s15] =	ssyncset.done $0x0  }
0x15a: {  	[sflag:s15] =	ssyncadd.s32 $0xFFFFD800  }
0x15b: {  	_ =	swait.ge [sflag:s10], $0x1400  }
0x15c: {  	[sflag:s10] =	ssyncset.done $0x0;
	s19 =	rddreg [dreg:$0x14]  }
0x15d: {  	s21 =	rddreg [dreg:$0x13];
	[sflag:s10] =	ssyncadd.s32 $0xFFFFEC00;
	s19 =	sadd.s32 s5, s19  }
0x15e: {  	[tilespmem:s16], [sflag:$0x2] =	stream.linear.gather [hbm4b:s19+s3], $0xC8, $0x38;
	[tilespmem:$0x1F9A0] =	vst v63  }
0x15f: {  	s20 =	rddreg [dreg:$0x12];
	s19 =	sadd.s32 s5, s21  }
0x160: {  	[tilespmem:s17], [sflag:$0x2] =	stream.linear.gather [hbm4b:s19+s3], $0x28, $0x38;
	[tilespmem:$0x1F9A0] =	vst v63  }
0x161: {  	s21 =	rddreg [dreg:$0x11];
	s19 =	sadd.s32 s5, s20  }
0x162: {  	[tilespmem:s9], [sflag:$0x2] =	stream.linear.gather [hbm4b:s19+s3], $0x28, $0x38;
	[tilespmem:$0x1F9A0] =	vst v63  }
0x163: {  	s19 =	sadd.s32 s5, s21  }
0x164: {  	[tilespmem:s30], [sflag:$0x2] =	stream.linear.gather [hbm4b:s19+s3], $0x28, $0x38;
	[tilespmem:$0x1F9A0] =	vst v63  }
.Ltmp4:
0x165: {  	s20 =	rddreg [dreg:$0x10];
	(pc) =	sbr.rel .LBB2_4-.Ltmp4, $4  }
0x166: {  	s21 =	rddreg [dreg:$0xf];
	s19 =	sadd.s32 s5, s20  }
0x167: {  	[tilespmem:s31], [sflag:$0x2] =	stream.linear.gather [hbm4b:s19+s3], $0x28, $0x38;
	[tilespmem:$0x1F9A0] =	vst v63  }
0x168: {  	s18 =	sadd.s32 $0x190, s18;
	s19 =	sadd.s32 s5, s21;
	s5 =	sadd.s32 $0x32, s5  }
0x169: {  	[tilespmem:s0], [sflag:$0x2] =	stream.linear.gather [hbm4b:s19+s3], $0x28, $0x38;
	[tilespmem:$0x1F9A0] =	vst v63  }
.LBB2_7:
0x16a: {  	_ =	sfence.sel $0x180000  }
0x16b: {  	[bflag:$0x0] =	sbarrier.arrive $0xFFFF  }
0x16c: {  	_ =	strace $0x90000047  }
0x16d: {  	s0 =	stileid.u32;
	[bflag:$0x2] =	sbarrier.arrive $0xFFFF  }
0x16e: {  	p0 =	sne.s32 s0, $0x0;
	s0 =	rddreg [dreg:$0x3]  }
0x16f: {  	s0 =	sadd.s32 @!p0 $0x100000, s0  }
0x170: {  	[sflag:s0] =	ssyncadd.tile.s32 @!p0 $0x1;
	_ =	shalt  }
.Lfunc_end2:
_tile_overlayer_lowered:
.L_overlay_start_2:
0x171: {  	(tag) =	ssettag $0x2  }
0x172: {  	s0 =	rddreg [dreg:$0x0];
	s2 =	stileid.u32  }
0x173: {  	s1 =	rddreg [dreg:$0x1];
	p0 =	sne.s32 s2, $0x0  }
0x174: {  	s3 =	rddreg [dreg:$0x2];
	[bflag:$0x3] =	sbarrier.arrive $0xFFFF;
	s2 =	simm.s32 @!p0 $0x1C07  }
0x175: {  	[timem:s3], [sflag:s2] =	dma.local @!p0 [hbm:s0], s1  }
0x176: {  	s0 =	simm.s32 @!p0 $0x7  }
0x177: {  	_ =	swait.ge @!p0 [sflag:s0], s1  }
0x178: {  	s1 =	ssub.s32 @!p0 $0x0, s1;
	[sflag:s0] =	ssyncset.done @!p0 $0x0  }
0x179: {  	[sflag:s0] =	ssyncadd.s32 @!p0 s1  }
0x17a: {  	[bflag:$0x3] =	sbarrier.arrive $0xFFFF  }
0x17b: {  	_ =	shalt  }

</sc_bundles>
